<compile_context>
chip_gen: v7x
topology: tpu7x:2x2x1
jax: 0.10.2.dev20260603
libtpu: 0.0.44.dev20260713+nightly
codegen_flags: <defaults>
</compile_context>

<pallas_src>
import dataclasses

import jax
import jax.numpy as jnp
from jax.experimental import pallas as pl
from jax.experimental.pallas import tpu as pltpu
from jax.experimental.pallas import tpu_sc as plsc

_B, _F, _D = 4096, 100, 64
_NUM_SCALES = 100000
_CHUNK = 4096
_LANES = 16


def _sc_kernel_body(map_hbm, feat_hbm, scales_hbm, out_hbm, table_vmem):
    pltpu.sync_copy(scales_hbm, table_vmem)

    def chunk_body(map_vmem, feat_vmem, out_vmem):
        @plsc.parallel_loop(0, _CHUNK, step=_LANES, unroll=8)
        def _(j):
            idx = map_vmem[0, 0, pl.ds(j, _LANES)]
            vals = plsc.load_gather(table_vmem, [idx])
            out_vmem[0, 0, pl.ds(j, _LANES)] = (
                feat_vmem[0, 0, pl.ds(j, _LANES)] * vals
            )

    pltpu.emit_pipeline(
        chunk_body,
        grid=(_F, _D),
        in_specs=[
            pl.BlockSpec((1, 1, _B), lambda i, j: (i, j, 0)),
            pl.BlockSpec((1, 1, _B), lambda i, j: (i, j, 0)),
        ],
        out_specs=[pl.BlockSpec((1, 1, _B), lambda i, j: (i, j, 0))],
        core_axis_name=("core", "subcore"),
        dimension_semantics=(pltpu.PARALLEL, pltpu.PARALLEL),
    )(map_hbm, feat_hbm, out_hbm)


@jax.jit
def kernel(feature, scales_map, scales):
    mesh = plsc.VectorSubcoreMesh(
        core_axis_name="core", subcore_axis_name="subcore"
    )
    cp = pltpu.CompilerParams()
    if "needs_layout_passes" in pltpu.CompilerParams.__dataclass_fields__:
        cp = dataclasses.replace(cp, needs_layout_passes=False)
    run = pl.kernel(
        _sc_kernel_body,
        out_type=jax.ShapeDtypeStruct((_F, _D, _B), jnp.float32),
        mesh=mesh,
        scratch_types=[pltpu.VMEM((_NUM_SCALES,), jnp.float32)],
        compiler_params=cp,
    )
    map_t = jnp.transpose(scales_map, (1, 2, 0))
    feat_t = jnp.transpose(feature, (1, 2, 0))
    out_t = run(map_t, feat_t, scales)
    return jnp.transpose(out_t, (2, 0, 1))

# --- scband reference (transcript-rebuilt; emitter-appended) ---
"""Pipeline reference for scband-monateg-scale-layer-71665824301797 (READ-ONLY COPY).

The authoritative reference and input builder live on the scoring server;
editing this copy changes nothing except your own understanding.
"""

import jax, jax.numpy as jnp
import numpy as np

NUM = 100000
INIT_VALUE = 1.0
B, F, D = 4096, 100, 64


def setup_inputs(seed: int = 0) -> dict:
    key = jax.random.key(seed)
    k1, k2 = jax.random.split(key, 2)
    feature = jax.random.normal(k1, (B, F, D), dtype=jnp.float32)
    scales_map = jax.random.randint(k2, (B, F, D), 0, NUM, dtype=jnp.int32)
    scales = jnp.full((NUM,), INIT_VALUE, dtype=jnp.float32)
    return {"feature": feature, "scales_map": scales_map, "scales": scales}


def reference(feature, scales_map, scales):
    # Faithful translation of: feature * self.scales[scales_map]
    gathered = jnp.take(scales, scales_map, axis=0)
    return feature * gathered

if __name__ == "__main__":
    import jax
    _d = setup_inputs()
    print(jax.jit(kernel)(*tuple(_d.values())))

</pallas_src>

<mosaic_0001>
#map = affine_map<(d0, d1) -> (0, 0, 0)>
#map1 = affine_map<(d0, d1) -> (0)>
module attributes {stable_mosaic.version = 14 : i64} {
  func.func @_sc_kernel_body(%arg0: i32, %arg1: i32, %arg2: memref<100x64x4096xi32, #tpu.memory_space<hbm>>, %arg3: memref<100x64x4096xf32, #tpu.memory_space<hbm>>, %arg4: memref<100000xf32, #tpu.memory_space<hbm>>, %arg5: memref<100x64x4096xf32, #tpu.memory_space<hbm>>, %arg6: memref<100000xf32, #tpu.memory_space<vmem>>) attributes {dimension_semantics = [#tpu.dimension_semantics<core_parallel>, #tpu.dimension_semantics<subcore_parallel>], iteration_bounds = array<i64: 2, 16>, scalar_prefetch = 0 : i64, scratch_operands = 1 : i64, tpu.core_type = #tpu.core_type<sc_vector_subcore>, window_params = [{transform_indices = #map}, {transform_indices = #map}, {transform_indices = #map1}, {transform_indices = #map}]} {
    "tpu.region"() ({
      %run_scoped3A = tpu.sem_alloc : memref<!tpu.dma_semaphore, #tpu.memory_space<semaphore_mem>>
      tpu.enqueue_dma source(%arg4 : memref<100000xf32, #tpu.memory_space<hbm>>) target(%arg6 : memref<100000xf32, #tpu.memory_space<vmem>>) target_semaphore(%run_scoped3A : memref<!tpu.dma_semaphore, #tpu.memory_space<semaphore_mem>>)
      tpu.wait_dma2 semaphore(%run_scoped3A : memref<!tpu.dma_semaphore, #tpu.memory_space<semaphore_mem>>) src(%arg4 : memref<100000xf32, #tpu.memory_space<hbm>>) dst(%arg6 : memref<100000xf32, #tpu.memory_space<vmem>>)
      tpu.yield
    }) : () -> ()
    %mul3A = arith.constant 1 : i32
    %mul3A_0 = arith.muli %arg1, %mul3A : i32
    %add3A = arith.constant 0 : i32
    %add3A_1 = arith.addi %add3A, %mul3A_0 : i32
    %mul3A_2 = arith.constant 16 : i32
    %mul3A_3 = arith.muli %arg0, %mul3A_2 : i32
    %add3A_4 = arith.addi %add3A_1, %mul3A_3 : i32
    %mul3A_5 = arith.constant 2 : i32
    %mul3A_6 = arith.muli %add3A_4, %mul3A_5 : i32
    "tpu.region"() ({
      %run_scoped3A = memref.alloca() : memref<2x1x1x4096xi32, #tpu.memory_space<vmem>>
      %run_scoped3A_7 = tpu.sem_alloc : memref<2x!tpu.dma_semaphore, #tpu.memory_space<semaphore_mem>>
      %run_scoped3A_8 = memref.alloca() : memref<2x1x1x4096xf32, #tpu.memory_space<vmem>>
      %run_scoped3A_9 = tpu.sem_alloc : memref<2x!tpu.dma_semaphore, #tpu.memory_space<semaphore_mem>>
      %run_scoped3A_10 = memref.alloca() : memref<2x1x1x4096xf32, #tpu.memory_space<vmem>>
      %run_scoped3A_11 = tpu.sem_alloc : memref<2x!tpu.dma_semaphore, #tpu.memory_space<semaphore_mem>>
      %add3A_12 = arith.constant 0 : i32
      %add3A_13 = arith.addi %add3A_12, %mul3A_6 : i32
      %select_n3A = arith.constant true
      %select_n3A_14 = arith.constant 0 : i32
      %select_n3A_15 = arith.constant -1 : i32
      %select_n3A_16 = arith.select %select_n3A, %select_n3A_15, %select_n3A_14 : i32
      %eq3A = arith.constant -1 : i32
      %eq3A_17 = arith.cmpi eq, %select_n3A_16, %eq3A : i32
      %select_n3A_18 = arith.constant 1 : i32
      %select_n3A_19 = arith.select %eq3A_17, %select_n3A_18, %select_n3A_16 : i32
      %select_n3A_20 = arith.constant 0 : i32
      %select_n3A_21 = arith.constant -1 : i32
      %select_n3A_22 = arith.select %eq3A_17, %select_n3A_21, %select_n3A_20 : i32
      %eq3A_23 = arith.constant -1 : i32
      %eq3A_24 = arith.cmpi eq, %select_n3A_22, %eq3A_23 : i32
      %select_n3A_25 = arith.constant 99 : i32
      %select_n3A_26 = arith.select %eq3A_24, %select_n3A_25, %select_n3A_22 : i32
      %add3A_27 = arith.constant 0 : i32
      %add3A_28 = arith.addi %select_n3A_26, %add3A_27 : i32
      %add3A_29 = arith.addi %select_n3A_19, %mul3A_6 : i32
      %select_n3A_30 = arith.constant true
      %select_n3A_31 = arith.constant 0 : i32
      %select_n3A_32 = arith.constant 1 : i32
      %select_n3A_33 = arith.select %select_n3A_30, %select_n3A_32, %select_n3A_31 : i32
      %eq3A_34 = arith.constant 2 : i32
      %eq3A_35 = arith.cmpi eq, %select_n3A_33, %eq3A_34 : i32
      %select_n3A_36 = arith.constant 0 : i32
      %select_n3A_37 = arith.select %eq3A_35, %select_n3A_36, %select_n3A_33 : i32
      %select_n3A_38 = arith.constant 0 : i32
      %select_n3A_39 = arith.constant 1 : i32
      %select_n3A_40 = arith.select %eq3A_35, %select_n3A_39, %select_n3A_38 : i32
      %eq3A_41 = arith.constant 100 : i32
      %eq3A_42 = arith.cmpi eq, %select_n3A_40, %eq3A_41 : i32
      %select_n3A_43 = arith.constant 0 : i32
      %select_n3A_44 = arith.select %eq3A_42, %select_n3A_43, %select_n3A_40 : i32
      %add3A_45 = arith.constant 0 : i32
      %add3A_46 = arith.addi %select_n3A_44, %add3A_45 : i32
      %add3A_47 = arith.addi %select_n3A_37, %mul3A_6 : i32
      %add3A_48 = arith.constant 1 : i32
      %add3A_49 = arith.addi %select_n3A_37, %add3A_48 : i32
      %select_n3A_50 = arith.constant true
      %select_n3A_51 = arith.select %select_n3A_50, %add3A_49, %select_n3A_37 : i32
      %eq3A_52 = arith.constant 2 : i32
      %eq3A_53 = arith.cmpi eq, %select_n3A_51, %eq3A_52 : i32
      %select_n3A_54 = arith.constant 0 : i32
      %select_n3A_55 = arith.select %eq3A_53, %select_n3A_54, %select_n3A_51 : i32
      %add3A_56 = arith.constant 1 : i32
      %add3A_57 = arith.addi %select_n3A_44, %add3A_56 : i32
      %select_n3A_58 = arith.select %eq3A_53, %add3A_57, %select_n3A_44 : i32
      %eq3A_59 = arith.constant 100 : i32
      %eq3A_60 = arith.cmpi eq, %select_n3A_58, %eq3A_59 : i32
      %select_n3A_61 = arith.constant 0 : i32
      %select_n3A_62 = arith.select %eq3A_60, %select_n3A_61, %select_n3A_58 : i32
      %add3A_63 = arith.constant 0 : i32
      %add3A_64 = arith.addi %select_n3A_62, %add3A_63 : i32
      %add3A_65 = arith.addi %select_n3A_55, %mul3A_6 : i32
      "tpu.trace_start"() <{level = 10 : i32, message = "ep_initialize_0"}> : () -> ()
      %rem3A = arith.constant 0 : i32
      %rem3A_66 = arith.constant 2 : i32
      %rem3A_67 = arith.remui %rem3A, %rem3A_66 : i32
      %mul3A_68 = arith.constant 1 : i32
      %mul3A_69 = arith.muli %mul3A_68, %add3A_13 : i32
      %dma_start3A = arith.constant 0 : i32
      %dma_start3A_70 = arith.constant 0 : i32
      %dma_start3A_71 = arith.constant 0 : i32
      %dma_start3A_72 = tpu.memref_slice %run_scoped3A[%rem3A_67, %dma_start3A, %dma_start3A_70, %dma_start3A_71] : memref<2x1x1x4096xi32, #tpu.memory_space<vmem>> -> memref<1x1x1x4096xi32, #tpu.memory_space<vmem>>
      %dma_start3A_73 = tpu.memref_squeeze %dma_start3A_72 : memref<1x1x1x4096xi32, #tpu.memory_space<vmem>> -> memref<1x1x4096xi32, #tpu.memory_space<vmem>>
      %dma_start3A_74 = arith.constant 0 : i32
      %dma_start3A_75 = arith.constant 0 : i32
      %dma_start3A_76 = tpu.memref_slice %arg2[%dma_start3A_74, %mul3A_69, %dma_start3A_75] : memref<100x64x4096xi32, #tpu.memory_space<hbm>> -> memref<1x1x4096xi32, #tpu.memory_space<hbm>>
      %dma_start3A_77 = tpu.memref_slice %run_scoped3A_7[%rem3A_67] : memref<2x!tpu.dma_semaphore, #tpu.memory_space<semaphore_mem>> -> memref<1x!tpu.dma_semaphore, #tpu.memory_space<semaphore_mem>>
      %dma_start3A_78 = tpu.memref_squeeze %dma_start3A_77 : memref<1x!tpu.dma_semaphore, #tpu.memory_space<semaphore_mem>> -> memref<!tpu.dma_semaphore, #tpu.memory_space<semaphore_mem>>
      %dma_start3A_79 = arith.constant 0 : i32
      %dma_start3A_80 = arith.constant 0 : i32
      %dma_start3A_81 = arith.constant 0 : i32
      %dma_start3A_82 = tpu.memref_slice %run_scoped3A[%rem3A_67, %dma_start3A_79, %dma_start3A_80, %dma_start3A_81] : memref<2x1x1x4096xi32, #tpu.memory_space<vmem>> -> memref<1x1x1x4096xi32, #tpu.memory_space<vmem>>
      %dma_start3A_83 = tpu.memref_squeeze %dma_start3A_82 : memref<1x1x1x4096xi32, #tpu.memory_space<vmem>> -> memref<1x1x4096xi32, #tpu.memory_space<vmem>>
      %dma_start3A_84 = arith.constant 0 : i32
      %dma_start3A_85 = arith.constant 0 : i32
      %dma_start3A_86 = tpu.memref_slice %arg2[%dma_start3A_84, %mul3A_69, %dma_start3A_85] : memref<100x64x4096xi32, #tpu.memory_space<hbm>> -> memref<1x1x4096xi32, #tpu.memory_space<hbm>>
      tpu.enqueue_dma source(%dma_start3A_86 : memref<1x1x4096xi32, #tpu.memory_space<hbm>>) target(%dma_start3A_83 : memref<1x1x4096xi32, #tpu.memory_space<vmem>>) target_semaphore(%dma_start3A_78 : memref<!tpu.dma_semaphore, #tpu.memory_space<semaphore_mem>>)
      %add3A_87 = arith.constant 0 : i32
      %add3A_88 = arith.constant 1 : i32
      %add3A_89 = arith.addi %add3A_87, %add3A_88 : i32
      %select_n3A_90 = arith.constant true
      %select_n3A_91 = arith.constant 0 : i32
      %select_n3A_92 = arith.select %select_n3A_90, %add3A_89, %select_n3A_91 : i32
      %rem3A_93 = arith.constant 0 : i32
      %rem3A_94 = arith.constant 2 : i32
      %rem3A_95 = arith.remui %rem3A_93, %rem3A_94 : i32
      %mul3A_96 = arith.constant 1 : i32
      %mul3A_97 = arith.muli %mul3A_96, %add3A_13 : i32
      %dma_start3A_98 = arith.constant 0 : i32
      %dma_start3A_99 = arith.constant 0 : i32
      %dma_start3A_100 = arith.constant 0 : i32
      %dma_start3A_101 = tpu.memref_slice %run_scoped3A_8[%rem3A_95, %dma_start3A_98, %dma_start3A_99, %dma_start3A_100] : memref<2x1x1x4096xf32, #tpu.memory_space<vmem>> -> memref<1x1x1x4096xf32, #tpu.memory_space<vmem>>
      %dma_start3A_102 = tpu.memref_squeeze %dma_start3A_101 : memref<1x1x1x4096xf32, #tpu.memory_space<vmem>> -> memref<1x1x4096xf32, #tpu.memory_space<vmem>>
      %dma_start3A_103 = arith.constant 0 : i32
      %dma_start3A_104 = arith.constant 0 : i32
      %dma_start3A_105 = tpu.memref_slice %arg3[%dma_start3A_103, %mul3A_97, %dma_start3A_104] : memref<100x64x4096xf32, #tpu.memory_space<hbm>> -> memref<1x1x4096xf32, #tpu.memory_space<hbm>>
      %dma_start3A_106 = tpu.memref_slice %run_scoped3A_9[%rem3A_95] : memref<2x!tpu.dma_semaphore, #tpu.memory_space<semaphore_mem>> -> memref<1x!tpu.dma_semaphore, #tpu.memory_space<semaphore_mem>>
      %dma_start3A_107 = tpu.memref_squeeze %dma_start3A_106 : memref<1x!tpu.dma_semaphore, #tpu.memory_space<semaphore_mem>> -> memref<!tpu.dma_semaphore, #tpu.memory_space<semaphore_mem>>
      %dma_start3A_108 = arith.constant 0 : i32
      %dma_start3A_109 = arith.constant 0 : i32
      %dma_start3A_110 = arith.constant 0 : i32
      %dma_start3A_111 = tpu.memref_slice %run_scoped3A_8[%rem3A_95, %dma_start3A_108, %dma_start3A_109, %dma_start3A_110] : memref<2x1x1x4096xf32, #tpu.memory_space<vmem>> -> memref<1x1x1x4096xf32, #tpu.memory_space<vmem>>
      %dma_start3A_112 = tpu.memref_squeeze %dma_start3A_111 : memref<1x1x1x4096xf32, #tpu.memory_space<vmem>> -> memref<1x1x4096xf32, #tpu.memory_space<vmem>>
      %dma_start3A_113 = arith.constant 0 : i32
      %dma_start3A_114 = arith.constant 0 : i32
      %dma_start3A_115 = tpu.memref_slice %arg3[%dma_start3A_113, %mul3A_97, %dma_start3A_114] : memref<100x64x4096xf32, #tpu.memory_space<hbm>> -> memref<1x1x4096xf32, #tpu.memory_space<hbm>>
      tpu.enqueue_dma source(%dma_start3A_115 : memref<1x1x4096xf32, #tpu.memory_space<hbm>>) target(%dma_start3A_112 : memref<1x1x4096xf32, #tpu.memory_space<vmem>>) target_semaphore(%dma_start3A_107 : memref<!tpu.dma_semaphore, #tpu.memory_space<semaphore_mem>>)
      %add3A_116 = arith.constant 0 : i32
      %add3A_117 = arith.constant 1 : i32
      %add3A_118 = arith.addi %add3A_116, %add3A_117 : i32
      %select_n3A_119 = arith.constant true
      %select_n3A_120 = arith.constant 0 : i32
      %select_n3A_121 = arith.select %select_n3A_119, %add3A_118, %select_n3A_120 : i32
      "tpu.trace_stop"() : () -> ()
      %scan3A = arith.constant 0 : i32
      %scan3A_122 = arith.constant 0 : i32
      %scan3A_123 = arith.constant 0 : i32
      %scan3A_124 = arith.constant 0 : i32
      %scan3A_125 = arith.constant 0 : i32
      %scan3A_126 = arith.constant 0 : i32
      %scan3A_127 = arith.constant 0 : i32
      %scan3A_128 = arith.constant 200 : i32
      %scan3A_129 = arith.addi %scan3A_127, %scan3A_128 : i32
      %scan3A_130 = arith.constant 1 : i32
      %scan3A_131:8 = scf.for %scan3A_225 = %scan3A_127 to %scan3A_129 step %scan3A_130 iter_args(%scan3A_226 = %select_n3A_92, %scan3A_227 = %scan3A, %scan3A_228 = %select_n3A_121, %scan3A_229 = %scan3A_122, %scan3A_230 = %scan3A_123, %scan3A_231 = %scan3A_124, %scan3A_232 = %scan3A_125, %scan3A_233 = %scan3A_126) -> (i32, i32, i32, i32, i32, i32, i32, i32)  : i32 {
        %eq3A_234 = arith.constant 0 : i32
        %eq3A_235 = arith.cmpi eq, %scan3A_225, %eq3A_234 : i32
        %eq3A_236 = arith.constant 199 : i32
        %eq3A_237 = arith.cmpi eq, %scan3A_225, %eq3A_236 : i32
        %add3A_238 = arith.constant 0 : i32
        %add3A_239 = arith.addi %scan3A_232, %add3A_238 : i32
        %add3A_240 = arith.addi %scan3A_233, %mul3A_6 : i32
        %sub3A_241 = arith.constant 1 : i32
        %sub3A_242 = arith.subi %scan3A_233, %sub3A_241 : i32
        %select_n3A_243 = arith.constant true
        %select_n3A_244 = arith.select %select_n3A_243, %sub3A_242, %scan3A_233 : i32
        %eq3A_245 = arith.constant -1 : i32
        %eq3A_246 = arith.cmpi eq, %select_n3A_244, %eq3A_245 : i32
        %select_n3A_247 = arith.constant 1 : i32
        %select_n3A_248 = arith.select %eq3A_246, %select_n3A_247, %select_n3A_244 : i32
        %sub3A_249 = arith.constant 1 : i32
        %sub3A_250 = arith.subi %scan3A_232, %sub3A_249 : i32
        %select_n3A_251 = arith.select %eq3A_246, %sub3A_250, %scan3A_232 : i32
        %eq3A_252 = arith.constant -1 : i32
        %eq3A_253 = arith.cmpi eq, %select_n3A_251, %eq3A_252 : i32
        %select_n3A_254 = arith.constant 99 : i32
        %select_n3A_255 = arith.select %eq3A_253, %select_n3A_254, %select_n3A_251 : i32
        %add3A_256 = arith.constant 0 : i32
        %add3A_257 = arith.addi %select_n3A_255, %add3A_256 : i32
        %add3A_258 = arith.addi %select_n3A_248, %mul3A_6 : i32
        %add3A_259 = arith.constant 1 : i32
        %add3A_260 = arith.addi %scan3A_233, %add3A_259 : i32
        %select_n3A_261 = arith.constant true
        %select_n3A_262 = arith.select %select_n3A_261, %add3A_260, %scan3A_233 : i32
        %eq3A_263 = arith.constant 2 : i32
        %eq3A_264 = arith.cmpi eq, %select_n3A_262, %eq3A_263 : i32
        %select_n3A_265 = arith.constant 0 : i32
        %select_n3A_266 = arith.select %eq3A_264, %select_n3A_265, %select_n3A_262 : i32
        %add3A_267 = arith.constant 1 : i32
        %add3A_268 = arith.addi %scan3A_232, %add3A_267 : i32
        %select_n3A_269 = arith.select %eq3A_264, %add3A_268, %scan3A_232 : i32
        %eq3A_270 = arith.constant 100 : i32
        %eq3A_271 = arith.cmpi eq, %select_n3A_269, %eq3A_270 : i32
        %select_n3A_272 = arith.constant 0 : i32
        %select_n3A_273 = arith.select %eq3A_271, %select_n3A_272, %select_n3A_269 : i32
        %add3A_274 = arith.constant 0 : i32
        %add3A_275 = arith.addi %select_n3A_273, %add3A_274 : i32
        %add3A_276 = arith.addi %select_n3A_266, %mul3A_6 : i32
        %add3A_277 = arith.constant 1 : i32
        %add3A_278 = arith.addi %select_n3A_266, %add3A_277 : i32
        %select_n3A_279 = arith.constant true
        %select_n3A_280 = arith.select %select_n3A_279, %add3A_278, %select_n3A_266 : i32
        %eq3A_281 = arith.constant 2 : i32
        %eq3A_282 = arith.cmpi eq, %select_n3A_280, %eq3A_281 : i32
        %select_n3A_283 = arith.constant 0 : i32
        %select_n3A_284 = arith.select %eq3A_282, %select_n3A_283, %select_n3A_280 : i32
        %add3A_285 = arith.constant 1 : i32
        %add3A_286 = arith.addi %select_n3A_273, %add3A_285 : i32
        %select_n3A_287 = arith.select %eq3A_282, %add3A_286, %select_n3A_273 : i32
        %eq3A_288 = arith.constant 100 : i32
        %eq3A_289 = arith.cmpi eq, %select_n3A_287, %eq3A_288 : i32
        %select_n3A_290 = arith.constant 0 : i32
        %select_n3A_291 = arith.select %eq3A_289, %select_n3A_290, %select_n3A_287 : i32
        %add3A_292 = arith.constant 0 : i32
        %add3A_293 = arith.addi %select_n3A_291, %add3A_292 : i32
        %add3A_294 = arith.addi %select_n3A_284, %mul3A_6 : i32
        %ne3A = arith.cmpi ne, %add3A_239, %add3A_275 : i32
        %ne3A_295 = arith.cmpi ne, %add3A_240, %add3A_276 : i32
        %or3A = arith.constant false
        %or3A_296 = arith.ori %or3A, %ne3A : i1
        %or3A_297 = arith.ori %or3A_296, %ne3A_295 : i1
        %or3A_298 = arith.constant false
        %or3A_299 = arith.ori %or3A_297, %or3A_298 : i1
        %ge3A = arith.constant 199 : i32
        %ge3A_300 = arith.cmpi sge, %scan3A_225, %ge3A : i32
        %not3A = arith.constant true
        %not3A_301 = arith.xori %ge3A_300, %not3A : i1
        %and3A = arith.andi %or3A_299, %not3A_301 : i1
        %convert_element_type3A = arith.extui %and3A : i1 to i32
        %cond3A = arith.constant 0 : i32
        %cond3A_302 = arith.cmpi ne, %convert_element_type3A, %cond3A : i32
        scf.if %cond3A_302 {
          "tpu.trace_start"() <{level = 10 : i32, message = "ep_copy_in"}> : () -> ()
          %rem3A_508 = arith.constant 2 : i32
          %rem3A_509 = arith.remui %scan3A_226, %rem3A_508 : i32
          %mul3A_510 = arith.constant 1 : i32
          %mul3A_511 = arith.muli %mul3A_510, %add3A_275 : i32
          %mul3A_512 = arith.constant 1 : i32
          %mul3A_513 = arith.muli %mul3A_512, %add3A_276 : i32
          %dma_start3A_514 = arith.constant 0 : i32
          %dma_start3A_515 = arith.constant 0 : i32
          %dma_start3A_516 = arith.constant 0 : i32
          %dma_start3A_517 = tpu.memref_slice %run_scoped3A[%rem3A_509, %dma_start3A_514, %dma_start3A_515, %dma_start3A_516] : memref<2x1x1x4096xi32, #tpu.memory_space<vmem>> -> memref<1x1x1x4096xi32, #tpu.memory_space<vmem>>
          %dma_start3A_518 = tpu.memref_squeeze %dma_start3A_517 : memref<1x1x1x4096xi32, #tpu.memory_space<vmem>> -> memref<1x1x4096xi32, #tpu.memory_space<vmem>>
          %dma_start3A_519 = arith.constant 0 : i32
          %dma_start3A_520 = tpu.memref_slice %arg2[%mul3A_511, %mul3A_513, %dma_start3A_519] : memref<100x64x4096xi32, #tpu.memory_space<hbm>> -> memref<1x1x4096xi32, #tpu.memory_space<hbm>>
          %dma_start3A_521 = tpu.memref_slice %run_scoped3A_7[%rem3A_509] : memref<2x!tpu.dma_semaphore, #tpu.memory_space<semaphore_mem>> -> memref<1x!tpu.dma_semaphore, #tpu.memory_space<semaphore_mem>>
          %dma_start3A_522 = tpu.memref_squeeze %dma_start3A_521 : memref<1x!tpu.dma_semaphore, #tpu.memory_space<semaphore_mem>> -> memref<!tpu.dma_semaphore, #tpu.memory_space<semaphore_mem>>
          %dma_start3A_523 = arith.constant 0 : i32
          %dma_start3A_524 = arith.constant 0 : i32
          %dma_start3A_525 = arith.constant 0 : i32
          %dma_start3A_526 = tpu.memref_slice %run_scoped3A[%rem3A_509, %dma_start3A_523, %dma_start3A_524, %dma_start3A_525] : memref<2x1x1x4096xi32, #tpu.memory_space<vmem>> -> memref<1x1x1x4096xi32, #tpu.memory_space<vmem>>
          %dma_start3A_527 = tpu.memref_squeeze %dma_start3A_526 : memref<1x1x1x4096xi32, #tpu.memory_space<vmem>> -> memref<1x1x4096xi32, #tpu.memory_space<vmem>>
          %dma_start3A_528 = arith.constant 0 : i32
          %dma_start3A_529 = tpu.memref_slice %arg2[%mul3A_511, %mul3A_513, %dma_start3A_528] : memref<100x64x4096xi32, #tpu.memory_space<hbm>> -> memref<1x1x4096xi32, #tpu.memory_space<hbm>>
          tpu.enqueue_dma source(%dma_start3A_529 : memref<1x1x4096xi32, #tpu.memory_space<hbm>>) target(%dma_start3A_527 : memref<1x1x4096xi32, #tpu.memory_space<vmem>>) target_semaphore(%dma_start3A_522 : memref<!tpu.dma_semaphore, #tpu.memory_space<semaphore_mem>>)
          "tpu.trace_stop"() : () -> ()
        } else {
        }
        %and3A_303 = arith.constant true
        %and3A_304 = arith.andi %and3A, %and3A_303 : i1
        %add3A_305 = arith.constant 1 : i32
        %add3A_306 = arith.addi %scan3A_226, %add3A_305 : i32
        %select_n3A_307 = arith.select %and3A_304, %add3A_306, %scan3A_226 : i32
        %ne3A_308 = arith.cmpi ne, %add3A_239, %add3A_275 : i32
        %ne3A_309 = arith.cmpi ne, %add3A_240, %add3A_276 : i32
        %or3A_310 = arith.constant false
        %or3A_311 = arith.ori %or3A_310, %ne3A_308 : i1
        %or3A_312 = arith.ori %or3A_311, %ne3A_309 : i1
        %or3A_313 = arith.constant false
        %or3A_314 = arith.ori %or3A_312, %or3A_313 : i1
        %ge3A_315 = arith.constant 199 : i32
        %ge3A_316 = arith.cmpi sge, %scan3A_225, %ge3A_315 : i32
        %not3A_317 = arith.constant true
        %not3A_318 = arith.xori %ge3A_316, %not3A_317 : i1
        %and3A_319 = arith.andi %or3A_314, %not3A_318 : i1
        %convert_element_type3A_320 = arith.extui %and3A_319 : i1 to i32
        %cond3A_321 = arith.constant 0 : i32
        %cond3A_322 = arith.cmpi ne, %convert_element_type3A_320, %cond3A_321 : i32
        scf.if %cond3A_322 {
          "tpu.trace_start"() <{level = 10 : i32, message = "ep_copy_in"}> : () -> ()
          %rem3A_508 = arith.constant 2 : i32
          %rem3A_509 = arith.remui %scan3A_228, %rem3A_508 : i32
          %mul3A_510 = arith.constant 1 : i32
          %mul3A_511 = arith.muli %mul3A_510, %add3A_275 : i32
          %mul3A_512 = arith.constant 1 : i32
          %mul3A_513 = arith.muli %mul3A_512, %add3A_276 : i32
          %dma_start3A_514 = arith.constant 0 : i32
          %dma_start3A_515 = arith.constant 0 : i32
          %dma_start3A_516 = arith.constant 0 : i32
          %dma_start3A_517 = tpu.memref_slice %run_scoped3A_8[%rem3A_509, %dma_start3A_514, %dma_start3A_515, %dma_start3A_516] : memref<2x1x1x4096xf32, #tpu.memory_space<vmem>> -> memref<1x1x1x4096xf32, #tpu.memory_space<vmem>>
          %dma_start3A_518 = tpu.memref_squeeze %dma_start3A_517 : memref<1x1x1x4096xf32, #tpu.memory_space<vmem>> -> memref<1x1x4096xf32, #tpu.memory_space<vmem>>
          %dma_start3A_519 = arith.constant 0 : i32
          %dma_start3A_520 = tpu.memref_slice %arg3[%mul3A_511, %mul3A_513, %dma_start3A_519] : memref<100x64x4096xf32, #tpu.memory_space<hbm>> -> memref<1x1x4096xf32, #tpu.memory_space<hbm>>
          %dma_start3A_521 = tpu.memref_slice %run_scoped3A_9[%rem3A_509] : memref<2x!tpu.dma_semaphore, #tpu.memory_space<semaphore_mem>> -> memref<1x!tpu.dma_semaphore, #tpu.memory_space<semaphore_mem>>
          %dma_start3A_522 = tpu.memref_squeeze %dma_start3A_521 : memref<1x!tpu.dma_semaphore, #tpu.memory_space<semaphore_mem>> -> memref<!tpu.dma_semaphore, #tpu.memory_space<semaphore_mem>>
          %dma_start3A_523 = arith.constant 0 : i32
          %dma_start3A_524 = arith.constant 0 : i32
          %dma_start3A_525 = arith.constant 0 : i32
          %dma_start3A_526 = tpu.memref_slice %run_scoped3A_8[%rem3A_509, %dma_start3A_523, %dma_start3A_524, %dma_start3A_525] : memref<2x1x1x4096xf32, #tpu.memory_space<vmem>> -> memref<1x1x1x4096xf32, #tpu.memory_space<vmem>>
          %dma_start3A_527 = tpu.memref_squeeze %dma_start3A_526 : memref<1x1x1x4096xf32, #tpu.memory_space<vmem>> -> memref<1x1x4096xf32, #tpu.memory_space<vmem>>
          %dma_start3A_528 = arith.constant 0 : i32
          %dma_start3A_529 = tpu.memref_slice %arg3[%mul3A_511, %mul3A_513, %dma_start3A_528] : memref<100x64x4096xf32, #tpu.memory_space<hbm>> -> memref<1x1x4096xf32, #tpu.memory_space<hbm>>
          tpu.enqueue_dma source(%dma_start3A_529 : memref<1x1x4096xf32, #tpu.memory_space<hbm>>) target(%dma_start3A_527 : memref<1x1x4096xf32, #tpu.memory_space<vmem>>) target_semaphore(%dma_start3A_522 : memref<!tpu.dma_semaphore, #tpu.memory_space<semaphore_mem>>)
          "tpu.trace_stop"() : () -> ()
        } else {
        }
        %and3A_323 = arith.constant true
        %and3A_324 = arith.andi %and3A_319, %and3A_323 : i1
        %add3A_325 = arith.constant 1 : i32
        %add3A_326 = arith.addi %scan3A_228, %add3A_325 : i32
        %select_n3A_327 = arith.select %and3A_324, %add3A_326, %scan3A_228 : i32
        %ne3A_328 = arith.cmpi ne, %add3A_239, %add3A_275 : i32
        %ne3A_329 = arith.cmpi ne, %add3A_240, %add3A_276 : i32
        %or3A_330 = arith.constant false
        %or3A_331 = arith.ori %or3A_330, %ne3A_328 : i1
        %or3A_332 = arith.ori %or3A_331, %ne3A_329 : i1
        %or3A_333 = arith.constant false
        %or3A_334 = arith.ori %or3A_332, %or3A_333 : i1
        %ge3A_335 = arith.constant 199 : i32
        %ge3A_336 = arith.cmpi sge, %scan3A_225, %ge3A_335 : i32
        %not3A_337 = arith.constant true
        %not3A_338 = arith.xori %ge3A_336, %not3A_337 : i1
        %and3A_339 = arith.andi %or3A_334, %not3A_338 : i1
        %ne3A_340 = arith.cmpi ne, %add3A_239, %add3A_257 : i32
        %ne3A_341 = arith.cmpi ne, %add3A_240, %add3A_258 : i32
        %or3A_342 = arith.constant false
        %or3A_343 = arith.ori %or3A_342, %ne3A_340 : i1
        %or3A_344 = arith.ori %or3A_343, %ne3A_341 : i1
        %or3A_345 = arith.constant false
        %or3A_346 = arith.ori %or3A_344, %or3A_345 : i1
        %or3A_347 = arith.ori %or3A_346, %eq3A_235 : i1
        %convert_element_type3A_348 = arith.extui %or3A_347 : i1 to i32
        %cond3A_349 = arith.constant 0 : i32
        %cond3A_350 = arith.cmpi ne, %convert_element_type3A_348, %cond3A_349 : i32
        scf.if %cond3A_350 {
          "tpu.trace_start"() <{level = 10 : i32, message = "ep_wait_in"}> : () -> ()
          %mul3A_508 = arith.constant 1 : i32
          %mul3A_509 = arith.muli %mul3A_508, %add3A_239 : i32
          %mul3A_510 = arith.constant 1 : i32
          %mul3A_511 = arith.muli %mul3A_510, %add3A_240 : i32
          %rem3A_512 = arith.constant 2 : i32
          %rem3A_513 = arith.remui %scan3A_227, %rem3A_512 : i32
          %dma_wait3A_514 = arith.constant 0 : i32
          %dma_wait3A_515 = arith.constant 0 : i32
          %dma_wait3A_516 = arith.constant 0 : i32
          %dma_wait3A_517 = tpu.memref_slice %run_scoped3A[%rem3A_513, %dma_wait3A_514, %dma_wait3A_515, %dma_wait3A_516] : memref<2x1x1x4096xi32, #tpu.memory_space<vmem>> -> memref<1x1x1x4096xi32, #tpu.memory_space<vmem>>
          %dma_wait3A_518 = tpu.memref_squeeze %dma_wait3A_517 : memref<1x1x1x4096xi32, #tpu.memory_space<vmem>> -> memref<1x1x4096xi32, #tpu.memory_space<vmem>>
          %dma_wait3A_519 = arith.constant 0 : i32
          %dma_wait3A_520 = tpu.memref_slice %arg2[%mul3A_509, %mul3A_511, %dma_wait3A_519] : memref<100x64x4096xi32, #tpu.memory_space<hbm>> -> memref<1x1x4096xi32, #tpu.memory_space<hbm>>
          %dma_wait3A_521 = tpu.memref_slice %run_scoped3A_7[%rem3A_513] : memref<2x!tpu.dma_semaphore, #tpu.memory_space<semaphore_mem>> -> memref<1x!tpu.dma_semaphore, #tpu.memory_space<semaphore_mem>>
          %dma_wait3A_522 = tpu.memref_squeeze %dma_wait3A_521 : memref<1x!tpu.dma_semaphore, #tpu.memory_space<semaphore_mem>> -> memref<!tpu.dma_semaphore, #tpu.memory_space<semaphore_mem>>
          %dma_wait3A_523 = arith.constant 0 : i32
          %dma_wait3A_524 = arith.constant 0 : i32
          %dma_wait3A_525 = arith.constant 0 : i32
          %dma_wait3A_526 = tpu.memref_slice %run_scoped3A[%rem3A_513, %dma_wait3A_523, %dma_wait3A_524, %dma_wait3A_525] : memref<2x1x1x4096xi32, #tpu.memory_space<vmem>> -> memref<1x1x1x4096xi32, #tpu.memory_space<vmem>>
          %dma_wait3A_527 = tpu.memref_squeeze %dma_wait3A_526 : memref<1x1x1x4096xi32, #tpu.memory_space<vmem>> -> memref<1x1x4096xi32, #tpu.memory_space<vmem>>
          %dma_wait3A_528 = arith.constant 0 : i32
          %dma_wait3A_529 = tpu.memref_slice %arg2[%mul3A_509, %mul3A_511, %dma_wait3A_528] : memref<100x64x4096xi32, #tpu.memory_space<hbm>> -> memref<1x1x4096xi32, #tpu.memory_space<hbm>>
          tpu.wait_dma2 semaphore(%dma_wait3A_522 : memref<!tpu.dma_semaphore, #tpu.memory_space<semaphore_mem>>) src(%dma_wait3A_529 : memref<1x1x4096xi32, #tpu.memory_space<hbm>>) dst(%dma_wait3A_527 : memref<1x1x4096xi32, #tpu.memory_space<vmem>>)
          "tpu.trace_stop"() : () -> ()
        } else {
        }
        %ne3A_351 = arith.cmpi ne, %add3A_239, %add3A_257 : i32
        %ne3A_352 = arith.cmpi ne, %add3A_240, %add3A_258 : i32
        %or3A_353 = arith.constant false
        %or3A_354 = arith.ori %or3A_353, %ne3A_351 : i1
        %or3A_355 = arith.ori %or3A_354, %ne3A_352 : i1
        %or3A_356 = arith.constant false
        %or3A_357 = arith.ori %or3A_355, %or3A_356 : i1
        %or3A_358 = arith.ori %or3A_357, %eq3A_235 : i1
        %convert_element_type3A_359 = arith.extui %or3A_358 : i1 to i32
        %cond3A_360 = arith.constant 0 : i32
        %cond3A_361 = arith.cmpi ne, %convert_element_type3A_359, %cond3A_360 : i32
        scf.if %cond3A_361 {
          "tpu.trace_start"() <{level = 10 : i32, message = "ep_wait_in"}> : () -> ()
          %mul3A_508 = arith.constant 1 : i32
          %mul3A_509 = arith.muli %mul3A_508, %add3A_239 : i32
          %mul3A_510 = arith.constant 1 : i32
          %mul3A_511 = arith.muli %mul3A_510, %add3A_240 : i32
          %rem3A_512 = arith.constant 2 : i32
          %rem3A_513 = arith.remui %scan3A_229, %rem3A_512 : i32
          %dma_wait3A_514 = arith.constant 0 : i32
          %dma_wait3A_515 = arith.constant 0 : i32
          %dma_wait3A_516 = arith.constant 0 : i32
          %dma_wait3A_517 = tpu.memref_slice %run_scoped3A_8[%rem3A_513, %dma_wait3A_514, %dma_wait3A_515, %dma_wait3A_516] : memref<2x1x1x4096xf32, #tpu.memory_space<vmem>> -> memref<1x1x1x4096xf32, #tpu.memory_space<vmem>>
          %dma_wait3A_518 = tpu.memref_squeeze %dma_wait3A_517 : memref<1x1x1x4096xf32, #tpu.memory_space<vmem>> -> memref<1x1x4096xf32, #tpu.memory_space<vmem>>
          %dma_wait3A_519 = arith.constant 0 : i32
          %dma_wait3A_520 = tpu.memref_slice %arg3[%mul3A_509, %mul3A_511, %dma_wait3A_519] : memref<100x64x4096xf32, #tpu.memory_space<hbm>> -> memref<1x1x4096xf32, #tpu.memory_space<hbm>>
          %dma_wait3A_521 = tpu.memref_slice %run_scoped3A_9[%rem3A_513] : memref<2x!tpu.dma_semaphore, #tpu.memory_space<semaphore_mem>> -> memref<1x!tpu.dma_semaphore, #tpu.memory_space<semaphore_mem>>
          %dma_wait3A_522 = tpu.memref_squeeze %dma_wait3A_521 : memref<1x!tpu.dma_semaphore, #tpu.memory_space<semaphore_mem>> -> memref<!tpu.dma_semaphore, #tpu.memory_space<semaphore_mem>>
          %dma_wait3A_523 = arith.constant 0 : i32
          %dma_wait3A_524 = arith.constant 0 : i32
          %dma_wait3A_525 = arith.constant 0 : i32
          %dma_wait3A_526 = tpu.memref_slice %run_scoped3A_8[%rem3A_513, %dma_wait3A_523, %dma_wait3A_524, %dma_wait3A_525] : memref<2x1x1x4096xf32, #tpu.memory_space<vmem>> -> memref<1x1x1x4096xf32, #tpu.memory_space<vmem>>
          %dma_wait3A_527 = tpu.memref_squeeze %dma_wait3A_526 : memref<1x1x1x4096xf32, #tpu.memory_space<vmem>> -> memref<1x1x4096xf32, #tpu.memory_space<vmem>>
          %dma_wait3A_528 = arith.constant 0 : i32
          %dma_wait3A_529 = tpu.memref_slice %arg3[%mul3A_509, %mul3A_511, %dma_wait3A_528] : memref<100x64x4096xf32, #tpu.memory_space<hbm>> -> memref<1x1x4096xf32, #tpu.memory_space<hbm>>
          tpu.wait_dma2 semaphore(%dma_wait3A_522 : memref<!tpu.dma_semaphore, #tpu.memory_space<semaphore_mem>>) src(%dma_wait3A_529 : memref<1x1x4096xf32, #tpu.memory_space<hbm>>) dst(%dma_wait3A_527 : memref<1x1x4096xf32, #tpu.memory_space<vmem>>)
          "tpu.trace_stop"() : () -> ()
        } else {
        }
        %ne3A_362 = arith.cmpi ne, %add3A_239, %add3A_257 : i32
        %ne3A_363 = arith.cmpi ne, %add3A_240, %add3A_258 : i32
        %or3A_364 = arith.constant false
        %or3A_365 = arith.ori %or3A_364, %ne3A_362 : i1
        %or3A_366 = arith.ori %or3A_365, %ne3A_363 : i1
        %or3A_367 = arith.constant false
        %or3A_368 = arith.ori %or3A_366, %or3A_367 : i1
        %or3A_369 = arith.ori %or3A_368, %eq3A_235 : i1
        %convert_element_type3A_370 = arith.extui %or3A_369 : i1 to i32
        %cond3A_371 = arith.constant 0 : i32
        %cond3A_372 = arith.cmpi ne, %convert_element_type3A_370, %cond3A_371 : i32
        scf.if %cond3A_372 {
        } else {
        }
        %rem3A_373 = arith.constant 2 : i32
        %rem3A_374 = arith.remui %scan3A_227, %rem3A_373 : i32
        %rem3A_375 = arith.constant 2 : i32
        %rem3A_376 = arith.remui %scan3A_229, %rem3A_375 : i32
        %rem3A_377 = arith.constant 2 : i32
        %rem3A_378 = arith.remui %scan3A_230, %rem3A_377 : i32
        %parallel_loop3A = arith.constant 0 : i32
        %parallel_loop3A_379 = arith.constant 4096 : i32
        %parallel_loop3A_380 = arith.constant 16 : i32
        "tpu.trace_start"() <{level = 10 : i32, message = "ep_run_kernel"}> : () -> ()
        scf.for %parallel_loop3A_508 = %parallel_loop3A to %parallel_loop3A_379 step %parallel_loop3A_380  : i32 {
          %parallel_loop3A_509 = arith.constant 0 : i32
          %parallel_loop3A_510 = arith.constant 0 : i32
          %parallel_loop3A_511 = arith.constant 0 : i32
          %parallel_loop3A_512 = arith.constant 0 : i32
          %parallel_loop3A_513 = arith.constant 0 : i32
          %parallel_loop3A_514 = tpu.memref_slice %run_scoped3A[%rem3A_374, %parallel_loop3A_511, %parallel_loop3A_512, %parallel_loop3A_513] : memref<2x1x1x4096xi32, #tpu.memory_space<vmem>> -> memref<1x1x1x4096xi32, #tpu.memory_space<vmem>>
          %parallel_loop3A_515 = tpu.memref_squeeze %parallel_loop3A_514 : memref<1x1x1x4096xi32, #tpu.memory_space<vmem>> -> memref<1x1x4096xi32, #tpu.memory_space<vmem>>
          %parallel_loop3A_516 = arith.index_cast %parallel_loop3A_509 : i32 to index
          %parallel_loop3A_517 = arith.index_cast %parallel_loop3A_510 : i32 to index
          %parallel_loop3A_518 = arith.index_cast %parallel_loop3A_508 : i32 to index
          %parallel_loop3A_519 = tpu.vector_load %parallel_loop3A_515[%parallel_loop3A_516, %parallel_loop3A_517, %parallel_loop3A_518] {strides = array<i32>} : memref<1x1x4096xi32, #tpu.memory_space<vmem>>, vector<16xi32>,
          %parallel_loop3A_520 = tpu.vector_load_idx %arg6[%parallel_loop3A_519] : memref<100000xf32, #tpu.memory_space<vmem>>[vector<16xi32>], vector<16xf32>,
          %parallel_loop3A_521 = arith.constant 0 : i32
          %parallel_loop3A_522 = arith.constant 0 : i32
          %parallel_loop3A_523 = arith.constant 0 : i32
          %parallel_loop3A_524 = arith.constant 0 : i32
          %parallel_loop3A_525 = arith.constant 0 : i32
          %parallel_loop3A_526 = tpu.memref_slice %run_scoped3A_8[%rem3A_376, %parallel_loop3A_523, %parallel_loop3A_524, %parallel_loop3A_525] : memref<2x1x1x4096xf32, #tpu.memory_space<vmem>> -> memref<1x1x1x4096xf32, #tpu.memory_space<vmem>>
          %parallel_loop3A_527 = tpu.memref_squeeze %parallel_loop3A_526 : memref<1x1x1x4096xf32, #tpu.memory_space<vmem>> -> memref<1x1x4096xf32, #tpu.memory_space<vmem>>
          %parallel_loop3A_528 = arith.index_cast %parallel_loop3A_521 : i32 to index
          %parallel_loop3A_529 = arith.index_cast %parallel_loop3A_522 : i32 to index
          %parallel_loop3A_530 = arith.index_cast %parallel_loop3A_508 : i32 to index
          %parallel_loop3A_531 = tpu.vector_load %parallel_loop3A_527[%parallel_loop3A_528, %parallel_loop3A_529, %parallel_loop3A_530] {strides = array<i32>} : memref<1x1x4096xf32, #tpu.memory_space<vmem>>, vector<16xf32>,
          %parallel_loop3A_532 = arith.mulf %parallel_loop3A_531, %parallel_loop3A_520 : vector<16xf32>
          %parallel_loop3A_533 = arith.constant 0 : i32
          %parallel_loop3A_534 = arith.constant 0 : i32
          %parallel_loop3A_535 = arith.constant 0 : i32
          %parallel_loop3A_536 = arith.constant 0 : i32
          %parallel_loop3A_537 = arith.constant 0 : i32
          %parallel_loop3A_538 = tpu.memref_slice %run_scoped3A_10[%rem3A_378, %parallel_loop3A_535, %parallel_loop3A_536, %parallel_loop3A_537] : memref<2x1x1x4096xf32, #tpu.memory_space<vmem>> -> memref<1x1x1x4096xf32, #tpu.memory_space<vmem>>
          %parallel_loop3A_539 = tpu.memref_squeeze %parallel_loop3A_538 : memref<1x1x1x4096xf32, #tpu.memory_space<vmem>> -> memref<1x1x4096xf32, #tpu.memory_space<vmem>>
          %parallel_loop3A_540 = arith.index_cast %parallel_loop3A_533 : i32 to index
          %parallel_loop3A_541 = arith.index_cast %parallel_loop3A_534 : i32 to index
          %parallel_loop3A_542 = arith.index_cast %parallel_loop3A_508 : i32 to index
          %parallel_loop3A_543 = tpu.vector_load %parallel_loop3A_539[%parallel_loop3A_540, %parallel_loop3A_541, %parallel_loop3A_542] {strides = array<i32>} : memref<1x1x4096xf32, #tpu.memory_space<vmem>>, vector<16xf32>,
          tpu.vector_store %parallel_loop3A_539[%parallel_loop3A_540, %parallel_loop3A_541, %parallel_loop3A_542], %parallel_loop3A_532 {strides = array<i32>} : memref<1x1x4096xf32, #tpu.memory_space<vmem>>, vector<16xf32>,
        } {sc.loop_unroll_factor = 8 : i64, sc.parallel_access}
        "tpu.trace_stop"() : () -> ()
        %ne3A_381 = arith.cmpi ne, %add3A_239, %add3A_275 : i32
        %ne3A_382 = arith.cmpi ne, %add3A_240, %add3A_276 : i32
        %or3A_383 = arith.constant false
        %or3A_384 = arith.ori %or3A_383, %ne3A_381 : i1
        %or3A_385 = arith.ori %or3A_384, %ne3A_382 : i1
        %or3A_386 = arith.constant false
        %or3A_387 = arith.ori %or3A_385, %or3A_386 : i1
        %or3A_388 = arith.ori %or3A_387, %eq3A_237 : i1
        %convert_element_type3A_389 = arith.extui %or3A_388 : i1 to i32
        %cond3A_390 = arith.constant 0 : i32
        %cond3A_391 = arith.cmpi ne, %convert_element_type3A_389, %cond3A_390 : i32
        scf.if %cond3A_391 {
        } else {
        }
        %and3A_392 = arith.constant false
        %and3A_393 = arith.andi %or3A_388, %and3A_392 : i1
        %ne3A_394 = arith.cmpi ne, %add3A_239, %add3A_275 : i32
        %ne3A_395 = arith.cmpi ne, %add3A_240, %add3A_276 : i32
        %or3A_396 = arith.constant false
        %or3A_397 = arith.ori %or3A_396, %ne3A_394 : i1
        %or3A_398 = arith.ori %or3A_397, %ne3A_395 : i1
        %or3A_399 = arith.constant false
        %or3A_400 = arith.ori %or3A_398, %or3A_399 : i1
        %or3A_401 = arith.ori %or3A_400, %eq3A_237 : i1
        %convert_element_type3A_402 = arith.extui %or3A_401 : i1 to i32
        %cond3A_403 = arith.constant 0 : i32
        %cond3A_404 = arith.cmpi ne, %convert_element_type3A_402, %cond3A_403 : i32
        scf.if %cond3A_404 {
        } else {
        }
        %and3A_405 = arith.constant false
        %and3A_406 = arith.andi %or3A_401, %and3A_405 : i1
        %ne3A_407 = arith.cmpi ne, %add3A_239, %add3A_275 : i32
        %ne3A_408 = arith.cmpi ne, %add3A_240, %add3A_276 : i32
        %or3A_409 = arith.constant false
        %or3A_410 = arith.ori %or3A_409, %ne3A_407 : i1
        %or3A_411 = arith.ori %or3A_410, %ne3A_408 : i1
        %or3A_412 = arith.constant false
        %or3A_413 = arith.ori %or3A_411, %or3A_412 : i1
        %or3A_414 = arith.ori %or3A_413, %eq3A_237 : i1
        %convert_element_type3A_415 = arith.extui %or3A_414 : i1 to i32
        %cond3A_416 = arith.constant 0 : i32
        %cond3A_417 = arith.cmpi ne, %convert_element_type3A_415, %cond3A_416 : i32
        scf.if %cond3A_417 {
          "tpu.trace_start"() <{level = 10 : i32, message = "ep_copy_out"}> : () -> ()
          %rem3A_508 = arith.constant 2 : i32
          %rem3A_509 = arith.remui %scan3A_230, %rem3A_508 : i32
          %mul3A_510 = arith.constant 1 : i32
          %mul3A_511 = arith.muli %mul3A_510, %add3A_239 : i32
          %mul3A_512 = arith.constant 1 : i32
          %mul3A_513 = arith.muli %mul3A_512, %add3A_240 : i32
          %dma_start3A_514 = arith.constant 0 : i32
          %dma_start3A_515 = arith.constant 0 : i32
          %dma_start3A_516 = arith.constant 0 : i32
          %dma_start3A_517 = tpu.memref_slice %run_scoped3A_10[%rem3A_509, %dma_start3A_514, %dma_start3A_515, %dma_start3A_516] : memref<2x1x1x4096xf32, #tpu.memory_space<vmem>> -> memref<1x1x1x4096xf32, #tpu.memory_space<vmem>>
          %dma_start3A_518 = tpu.memref_squeeze %dma_start3A_517 : memref<1x1x1x4096xf32, #tpu.memory_space<vmem>> -> memref<1x1x4096xf32, #tpu.memory_space<vmem>>
          %dma_start3A_519 = arith.constant 0 : i32
          %dma_start3A_520 = tpu.memref_slice %arg5[%mul3A_511, %mul3A_513, %dma_start3A_519] : memref<100x64x4096xf32, #tpu.memory_space<hbm>> -> memref<1x1x4096xf32, #tpu.memory_space<hbm>>
          %dma_start3A_521 = tpu.memref_slice %run_scoped3A_11[%rem3A_509] : memref<2x!tpu.dma_semaphore, #tpu.memory_space<semaphore_mem>> -> memref<1x!tpu.dma_semaphore, #tpu.memory_space<semaphore_mem>>
          %dma_start3A_522 = tpu.memref_squeeze %dma_start3A_521 : memref<1x!tpu.dma_semaphore, #tpu.memory_space<semaphore_mem>> -> memref<!tpu.dma_semaphore, #tpu.memory_space<semaphore_mem>>
          %dma_start3A_523 = arith.constant 0 : i32
          %dma_start3A_524 = tpu.memref_slice %arg5[%mul3A_511, %mul3A_513, %dma_start3A_523] : memref<100x64x4096xf32, #tpu.memory_space<hbm>> -> memref<1x1x4096xf32, #tpu.memory_space<hbm>>
          %dma_start3A_525 = arith.constant 0 : i32
          %dma_start3A_526 = arith.constant 0 : i32
          %dma_start3A_527 = arith.constant 0 : i32
          %dma_start3A_528 = tpu.memref_slice %run_scoped3A_10[%rem3A_509, %dma_start3A_525, %dma_start3A_526, %dma_start3A_527] : memref<2x1x1x4096xf32, #tpu.memory_space<vmem>> -> memref<1x1x1x4096xf32, #tpu.memory_space<vmem>>
          %dma_start3A_529 = tpu.memref_squeeze %dma_start3A_528 : memref<1x1x1x4096xf32, #tpu.memory_space<vmem>> -> memref<1x1x4096xf32, #tpu.memory_space<vmem>>
          tpu.enqueue_dma source(%dma_start3A_529 : memref<1x1x4096xf32, #tpu.memory_space<vmem>>) target(%dma_start3A_524 : memref<1x1x4096xf32, #tpu.memory_space<hbm>>) target_semaphore(%dma_start3A_522 : memref<!tpu.dma_semaphore, #tpu.memory_space<semaphore_mem>>)
          "tpu.trace_stop"() : () -> ()
        } else {
        }
        %and3A_418 = arith.constant true
        %and3A_419 = arith.andi %or3A_414, %and3A_418 : i1
        %add3A_420 = arith.constant 1 : i32
        %add3A_421 = arith.addi %scan3A_230, %add3A_420 : i32
        %select_n3A_422 = arith.select %and3A_419, %add3A_421, %scan3A_230 : i32
        %ne3A_423 = arith.cmpi ne, %add3A_239, %add3A_257 : i32
        %ne3A_424 = arith.cmpi ne, %add3A_240, %add3A_258 : i32
        %or3A_425 = arith.constant false
        %or3A_426 = arith.ori %or3A_425, %ne3A_423 : i1
        %or3A_427 = arith.ori %or3A_426, %ne3A_424 : i1
        %or3A_428 = arith.constant false
        %or3A_429 = arith.ori %or3A_427, %or3A_428 : i1
        %not3A_430 = arith.constant true
        %not3A_431 = arith.xori %eq3A_235, %not3A_430 : i1
        %and3A_432 = arith.andi %or3A_429, %not3A_431 : i1
        %convert_element_type3A_433 = arith.extui %and3A_432 : i1 to i32
        %cond3A_434 = arith.constant 0 : i32
        %cond3A_435 = arith.cmpi ne, %convert_element_type3A_433, %cond3A_434 : i32
        scf.if %cond3A_435 {
        } else {
        }
        %and3A_436 = arith.constant false
        %and3A_437 = arith.andi %and3A_432, %and3A_436 : i1
        %ne3A_438 = arith.cmpi ne, %add3A_239, %add3A_257 : i32
        %ne3A_439 = arith.cmpi ne, %add3A_240, %add3A_258 : i32
        %or3A_440 = arith.constant false
        %or3A_441 = arith.ori %or3A_440, %ne3A_438 : i1
        %or3A_442 = arith.ori %or3A_441, %ne3A_439 : i1
        %or3A_443 = arith.constant false
        %or3A_444 = arith.ori %or3A_442, %or3A_443 : i1
        %not3A_445 = arith.constant true
        %not3A_446 = arith.xori %eq3A_235, %not3A_445 : i1
        %and3A_447 = arith.andi %or3A_444, %not3A_446 : i1
        %convert_element_type3A_448 = arith.extui %and3A_447 : i1 to i32
        %cond3A_449 = arith.constant 0 : i32
        %cond3A_450 = arith.cmpi ne, %convert_element_type3A_448, %cond3A_449 : i32
        scf.if %cond3A_450 {
        } else {
        }
        %and3A_451 = arith.constant false
        %and3A_452 = arith.andi %and3A_447, %and3A_451 : i1
        %ne3A_453 = arith.cmpi ne, %add3A_239, %add3A_257 : i32
        %ne3A_454 = arith.cmpi ne, %add3A_240, %add3A_258 : i32
        %or3A_455 = arith.constant false
        %or3A_456 = arith.ori %or3A_455, %ne3A_453 : i1
        %or3A_457 = arith.ori %or3A_456, %ne3A_454 : i1
        %or3A_458 = arith.constant false
        %or3A_459 = arith.ori %or3A_457, %or3A_458 : i1
        %not3A_460 = arith.constant true
        %not3A_461 = arith.xori %eq3A_235, %not3A_460 : i1
        %and3A_462 = arith.andi %or3A_459, %not3A_461 : i1
        %convert_element_type3A_463 = arith.extui %and3A_462 : i1 to i32
        %cond3A_464 = arith.constant 0 : i32
        %cond3A_465 = arith.cmpi ne, %convert_element_type3A_463, %cond3A_464 : i32
        scf.if %cond3A_465 {
          "tpu.trace_start"() <{level = 10 : i32, message = "ep_wait_out"}> : () -> ()
          %rem3A_508 = arith.constant 2 : i32
          %rem3A_509 = arith.remui %scan3A_231, %rem3A_508 : i32
          %mul3A_510 = arith.constant 1 : i32
          %mul3A_511 = arith.muli %mul3A_510, %add3A_257 : i32
          %mul3A_512 = arith.constant 1 : i32
          %mul3A_513 = arith.muli %mul3A_512, %add3A_258 : i32
          %dma_wait3A_514 = arith.constant 0 : i32
          %dma_wait3A_515 = arith.constant 0 : i32
          %dma_wait3A_516 = arith.constant 0 : i32
          %dma_wait3A_517 = tpu.memref_slice %run_scoped3A_10[%rem3A_509, %dma_wait3A_514, %dma_wait3A_515, %dma_wait3A_516] : memref<2x1x1x4096xf32, #tpu.memory_space<vmem>> -> memref<1x1x1x4096xf32, #tpu.memory_space<vmem>>
          %dma_wait3A_518 = tpu.memref_squeeze %dma_wait3A_517 : memref<1x1x1x4096xf32, #tpu.memory_space<vmem>> -> memref<1x1x4096xf32, #tpu.memory_space<vmem>>
          %dma_wait3A_519 = arith.constant 0 : i32
          %dma_wait3A_520 = tpu.memref_slice %arg5[%mul3A_511, %mul3A_513, %dma_wait3A_519] : memref<100x64x4096xf32, #tpu.memory_space<hbm>> -> memref<1x1x4096xf32, #tpu.memory_space<hbm>>
          %dma_wait3A_521 = tpu.memref_slice %run_scoped3A_11[%rem3A_509] : memref<2x!tpu.dma_semaphore, #tpu.memory_space<semaphore_mem>> -> memref<1x!tpu.dma_semaphore, #tpu.memory_space<semaphore_mem>>
          %dma_wait3A_522 = tpu.memref_squeeze %dma_wait3A_521 : memref<1x!tpu.dma_semaphore, #tpu.memory_space<semaphore_mem>> -> memref<!tpu.dma_semaphore, #tpu.memory_space<semaphore_mem>>
          %dma_wait3A_523 = arith.constant 0 : i32
          %dma_wait3A_524 = tpu.memref_slice %arg5[%mul3A_511, %mul3A_513, %dma_wait3A_523] : memref<100x64x4096xf32, #tpu.memory_space<hbm>> -> memref<1x1x4096xf32, #tpu.memory_space<hbm>>
          %dma_wait3A_525 = arith.constant 0 : i32
          %dma_wait3A_526 = arith.constant 0 : i32
          %dma_wait3A_527 = arith.constant 0 : i32
          %dma_wait3A_528 = tpu.memref_slice %run_scoped3A_10[%rem3A_509, %dma_wait3A_525, %dma_wait3A_526, %dma_wait3A_527] : memref<2x1x1x4096xf32, #tpu.memory_space<vmem>> -> memref<1x1x1x4096xf32, #tpu.memory_space<vmem>>
          %dma_wait3A_529 = tpu.memref_squeeze %dma_wait3A_528 : memref<1x1x1x4096xf32, #tpu.memory_space<vmem>> -> memref<1x1x4096xf32, #tpu.memory_space<vmem>>
          tpu.wait_dma2 semaphore(%dma_wait3A_522 : memref<!tpu.dma_semaphore, #tpu.memory_space<semaphore_mem>>) src(%dma_wait3A_529 : memref<1x1x4096xf32, #tpu.memory_space<vmem>>) dst(%dma_wait3A_524 : memref<1x1x4096xf32, #tpu.memory_space<hbm>>)
          "tpu.trace_stop"() : () -> ()
        } else {
        }
        %and3A_466 = arith.constant true
        %and3A_467 = arith.andi %and3A_462, %and3A_466 : i1
        %add3A_468 = arith.constant 1 : i32
        %add3A_469 = arith.addi %scan3A_231, %add3A_468 : i32
        %select_n3A_470 = arith.select %and3A_467, %add3A_469, %scan3A_231 : i32
        %ne3A_471 = arith.cmpi ne, %add3A_239, %add3A_275 : i32
        %ne3A_472 = arith.cmpi ne, %add3A_240, %add3A_276 : i32
        %or3A_473 = arith.constant false
        %or3A_474 = arith.ori %or3A_473, %ne3A_471 : i1
        %or3A_475 = arith.ori %or3A_474, %ne3A_472 : i1
        %or3A_476 = arith.constant false
        %or3A_477 = arith.ori %or3A_475, %or3A_476 : i1
        %or3A_478 = arith.ori %or3A_477, %eq3A_237 : i1
        %add3A_479 = arith.constant 1 : i32
        %add3A_480 = arith.addi %scan3A_227, %add3A_479 : i32
        %select_n3A_481 = arith.select %or3A_478, %add3A_480, %scan3A_227 : i32
        %ne3A_482 = arith.cmpi ne, %add3A_239, %add3A_275 : i32
        %ne3A_483 = arith.cmpi ne, %add3A_240, %add3A_276 : i32
        %or3A_484 = arith.constant false
        %or3A_485 = arith.ori %or3A_484, %ne3A_482 : i1
        %or3A_486 = arith.ori %or3A_485, %ne3A_483 : i1
        %or3A_487 = arith.constant false
        %or3A_488 = arith.ori %or3A_486, %or3A_487 : i1
        %or3A_489 = arith.ori %or3A_488, %eq3A_237 : i1
        %add3A_490 = arith.constant 1 : i32
        %add3A_491 = arith.addi %scan3A_229, %add3A_490 : i32
        %select_n3A_492 = arith.select %or3A_489, %add3A_491, %scan3A_229 : i32
        %add3A_493 = arith.constant 1 : i32
        %add3A_494 = arith.addi %scan3A_233, %add3A_493 : i32
        %select_n3A_495 = arith.constant true
        %select_n3A_496 = arith.select %select_n3A_495, %add3A_494, %scan3A_233 : i32
        %eq3A_497 = arith.constant 2 : i32
        %eq3A_498 = arith.cmpi eq, %select_n3A_496, %eq3A_497 : i32
        %select_n3A_499 = arith.constant 0 : i32
        %select_n3A_500 = arith.select %eq3A_498, %select_n3A_499, %select_n3A_496 : i32
        %add3A_501 = arith.constant 1 : i32
        %add3A_502 = arith.addi %scan3A_232, %add3A_501 : i32
        %select_n3A_503 = arith.select %eq3A_498, %add3A_502, %scan3A_232 : i32
        %eq3A_504 = arith.constant 100 : i32
        %eq3A_505 = arith.cmpi eq, %select_n3A_503, %eq3A_504 : i32
        %select_n3A_506 = arith.constant 0 : i32
        %select_n3A_507 = arith.select %eq3A_505, %select_n3A_506, %select_n3A_503 : i32
        scf.yield %select_n3A_307, %select_n3A_481, %select_n3A_327, %select_n3A_492, %select_n3A_422, %select_n3A_470, %select_n3A_507, %select_n3A_500 : i32, i32, i32, i32, i32, i32, i32, i32
      }
      %scan3A_132 = arith.constant 200 : i32
      %sub3A = arith.constant 1 : i32
      %sub3A_133 = arith.subi %scan3A_131#7, %sub3A : i32
      %select_n3A_134 = arith.constant true
      %select_n3A_135 = arith.select %select_n3A_134, %sub3A_133, %scan3A_131#7 : i32
      %eq3A_136 = arith.constant -1 : i32
      %eq3A_137 = arith.cmpi eq, %select_n3A_135, %eq3A_136 : i32
      %select_n3A_138 = arith.constant 1 : i32
      %select_n3A_139 = arith.select %eq3A_137, %select_n3A_138, %select_n3A_135 : i32
      %sub3A_140 = arith.constant 1 : i32
      %sub3A_141 = arith.subi %scan3A_131#6, %sub3A_140 : i32
      %select_n3A_142 = arith.select %eq3A_137, %sub3A_141, %scan3A_131#6 : i32
      %eq3A_143 = arith.constant -1 : i32
      %eq3A_144 = arith.cmpi eq, %select_n3A_142, %eq3A_143 : i32
      %select_n3A_145 = arith.constant 99 : i32
      %select_n3A_146 = arith.select %eq3A_144, %select_n3A_145, %select_n3A_142 : i32
      %add3A_147 = arith.constant 0 : i32
      %add3A_148 = arith.addi %select_n3A_146, %add3A_147 : i32
      %add3A_149 = arith.addi %select_n3A_139, %mul3A_6 : i32
      %sub3A_150 = arith.constant 1 : i32
      %sub3A_151 = arith.subi %select_n3A_139, %sub3A_150 : i32
      %select_n3A_152 = arith.constant true
      %select_n3A_153 = arith.select %select_n3A_152, %sub3A_151, %select_n3A_139 : i32
      %eq3A_154 = arith.constant -1 : i32
      %eq3A_155 = arith.cmpi eq, %select_n3A_153, %eq3A_154 : i32
      %select_n3A_156 = arith.constant 1 : i32
      %select_n3A_157 = arith.select %eq3A_155, %select_n3A_156, %select_n3A_153 : i32
      %sub3A_158 = arith.constant 1 : i32
      %sub3A_159 = arith.subi %select_n3A_146, %sub3A_158 : i32
      %select_n3A_160 = arith.select %eq3A_155, %sub3A_159, %select_n3A_146 : i32
      %eq3A_161 = arith.constant -1 : i32
      %eq3A_162 = arith.cmpi eq, %select_n3A_160, %eq3A_161 : i32
      %select_n3A_163 = arith.constant 99 : i32
      %select_n3A_164 = arith.select %eq3A_162, %select_n3A_163, %select_n3A_160 : i32
      %add3A_165 = arith.constant 0 : i32
      %add3A_166 = arith.addi %select_n3A_164, %add3A_165 : i32
      %add3A_167 = arith.addi %select_n3A_157, %mul3A_6 : i32
      %add3A_168 = arith.constant 1 : i32
      %add3A_169 = arith.addi %select_n3A_139, %add3A_168 : i32
      %select_n3A_170 = arith.constant true
      %select_n3A_171 = arith.select %select_n3A_170, %add3A_169, %select_n3A_139 : i32
      %eq3A_172 = arith.constant 2 : i32
      %eq3A_173 = arith.cmpi eq, %select_n3A_171, %eq3A_172 : i32
      %select_n3A_174 = arith.constant 0 : i32
      %select_n3A_175 = arith.select %eq3A_173, %select_n3A_174, %select_n3A_171 : i32
      %add3A_176 = arith.constant 1 : i32
      %add3A_177 = arith.addi %select_n3A_146, %add3A_176 : i32
      %select_n3A_178 = arith.select %eq3A_173, %add3A_177, %select_n3A_146 : i32
      %eq3A_179 = arith.constant 100 : i32
      %eq3A_180 = arith.cmpi eq, %select_n3A_178, %eq3A_179 : i32
      %select_n3A_181 = arith.constant 0 : i32
      %select_n3A_182 = arith.select %eq3A_180, %select_n3A_181, %select_n3A_178 : i32
      %add3A_183 = arith.constant 0 : i32
      %add3A_184 = arith.addi %select_n3A_182, %add3A_183 : i32
      %add3A_185 = arith.addi %select_n3A_175, %mul3A_6 : i32
      %add3A_186 = arith.constant 1 : i32
      %add3A_187 = arith.addi %select_n3A_175, %add3A_186 : i32
      %select_n3A_188 = arith.constant true
      %select_n3A_189 = arith.select %select_n3A_188, %add3A_187, %select_n3A_175 : i32
      %eq3A_190 = arith.constant 2 : i32
      %eq3A_191 = arith.cmpi eq, %select_n3A_189, %eq3A_190 : i32
      %select_n3A_192 = arith.constant 0 : i32
      %select_n3A_193 = arith.select %eq3A_191, %select_n3A_192, %select_n3A_189 : i32
      %add3A_194 = arith.constant 1 : i32
      %add3A_195 = arith.addi %select_n3A_182, %add3A_194 : i32
      %select_n3A_196 = arith.select %eq3A_191, %add3A_195, %select_n3A_182 : i32
      %eq3A_197 = arith.constant 100 : i32
      %eq3A_198 = arith.cmpi eq, %select_n3A_196, %eq3A_197 : i32
      %select_n3A_199 = arith.constant 0 : i32
      %select_n3A_200 = arith.select %eq3A_198, %select_n3A_199, %select_n3A_196 : i32
      %add3A_201 = arith.constant 0 : i32
      %add3A_202 = arith.addi %select_n3A_200, %add3A_201 : i32
      %add3A_203 = arith.addi %select_n3A_193, %mul3A_6 : i32
      "tpu.trace_start"() <{level = 10 : i32, message = "ep_finalize"}> : () -> ()
      %rem3A_204 = arith.constant 2 : i32
      %rem3A_205 = arith.remui %scan3A_131#5, %rem3A_204 : i32
      %mul3A_206 = arith.constant 1 : i32
      %mul3A_207 = arith.muli %mul3A_206, %add3A_148 : i32
      %mul3A_208 = arith.constant 1 : i32
      %mul3A_209 = arith.muli %mul3A_208, %add3A_149 : i32
      %dma_wait3A = arith.constant 0 : i32
      %dma_wait3A_210 = arith.constant 0 : i32
      %dma_wait3A_211 = arith.constant 0 : i32
      %dma_wait3A_212 = tpu.memref_slice %run_scoped3A_10[%rem3A_205, %dma_wait3A, %dma_wait3A_210, %dma_wait3A_211] : memref<2x1x1x4096xf32, #tpu.memory_space<vmem>> -> memref<1x1x1x4096xf32, #tpu.memory_space<vmem>>
      %dma_wait3A_213 = tpu.memref_squeeze %dma_wait3A_212 : memref<1x1x1x4096xf32, #tpu.memory_space<vmem>> -> memref<1x1x4096xf32, #tpu.memory_space<vmem>>
      %dma_wait3A_214 = arith.constant 0 : i32
      %dma_wait3A_215 = tpu.memref_slice %arg5[%mul3A_207, %mul3A_209, %dma_wait3A_214] : memref<100x64x4096xf32, #tpu.memory_space<hbm>> -> memref<1x1x4096xf32, #tpu.memory_space<hbm>>
      %dma_wait3A_216 = tpu.memref_slice %run_scoped3A_11[%rem3A_205] : memref<2x!tpu.dma_semaphore, #tpu.memory_space<semaphore_mem>> -> memref<1x!tpu.dma_semaphore, #tpu.memory_space<semaphore_mem>>
      %dma_wait3A_217 = tpu.memref_squeeze %dma_wait3A_216 : memref<1x!tpu.dma_semaphore, #tpu.memory_space<semaphore_mem>> -> memref<!tpu.dma_semaphore, #tpu.memory_space<semaphore_mem>>
      %dma_wait3A_218 = arith.constant 0 : i32
      %dma_wait3A_219 = tpu.memref_slice %arg5[%mul3A_207, %mul3A_209, %dma_wait3A_218] : memref<100x64x4096xf32, #tpu.memory_space<hbm>> -> memref<1x1x4096xf32, #tpu.memory_space<hbm>>
      %dma_wait3A_220 = arith.constant 0 : i32
      %dma_wait3A_221 = arith.constant 0 : i32
      %dma_wait3A_222 = arith.constant 0 : i32
      %dma_wait3A_223 = tpu.memref_slice %run_scoped3A_10[%rem3A_205, %dma_wait3A_220, %dma_wait3A_221, %dma_wait3A_222] : memref<2x1x1x4096xf32, #tpu.memory_space<vmem>> -> memref<1x1x1x4096xf32, #tpu.memory_space<vmem>>
      %dma_wait3A_224 = tpu.memref_squeeze %dma_wait3A_223 : memref<1x1x1x4096xf32, #tpu.memory_space<vmem>> -> memref<1x1x4096xf32, #tpu.memory_space<vmem>>
      tpu.wait_dma2 semaphore(%dma_wait3A_217 : memref<!tpu.dma_semaphore, #tpu.memory_space<semaphore_mem>>) src(%dma_wait3A_224 : memref<1x1x4096xf32, #tpu.memory_space<vmem>>) dst(%dma_wait3A_219 : memref<1x1x4096xf32, #tpu.memory_space<hbm>>)
      "tpu.trace_stop"() : () -> ()
      tpu.yield
    }) : () -> ()
    return
  }
}

</mosaic_0001>

<sc_bundles>
// kernel: kernel.3.cloned.1.call-start
scs
__scs_entry_jumppad:
0x0: {  	(pc) =	sbr.rel $0x88, $3  }
0x1: {  	(tag) =	ssettag $0x0;
	lr =	simm.s32 $0x1  }
0x2: {  	[smem:$0x3F9E] =	sst lr;
	_ =	strace $0xD0000000  }
0x3: {  	_ = 	snop  }
0x4: {  	_ = 	snop  }
0x5: {  	_ = 	snop  }
0x6: {  	_ = 	snop  }
0x7: {  	_ = 	snop  }
__scs_overlays_trampoline_lowered:
0x8: {  	[smem:$0x3FAD] =	sst s0  }
0x9: {  	[smem:$0x3FAE] =	sst s1  }
0xa: {  	[smem:$0x3FAF] =	sst s2  }
0xb: {  	[smem:$0x3FB0] =	sst s3  }
0xc: {  	[smem:$0x3FB1] =	sst s4  }
0xd: {  	[smem:$0x3FB2] =	sst s5  }
0xe: {  	[smem:$0x3FB3] =	sst s6  }
0xf: {  	[smem:$0x3FB4] =	sst s7  }
0x10: {  	[smem:$0x3FB5] =	sst s8  }
0x11: {  	[smem:$0x3FB6] =	sst s9;
	s0 =	simm.s32 @!p0 $0x0  }
0x12: {  	s1 =	sld [smem:$0x3F9C];
	s0 =	simm.s32 @p0 $0x1  }
0x13: {  	[smem:$0x3FB7] =	sst s0;
	s0 =	simm.s32 @!p1 $0x0  }
0x14: {  	s2 =	sld [smem:$0x3F9B];
	s0 =	simm.s32 @p1 $0x1  }
0x15: {  	[smem:$0x3FB8] =	sst s0;
	s0 =	simm.s32 @!p2 $0x0  }
0x16: {  	s3 =	sld [smem:$0x3FDB];
	s0 =	simm.s32 @p2 $0x1  }
0x17: {  	s4 =	simm.s32 $0x1BF5;
	[smem:$0x3FBA] =	sst s0  }
0x18: {  	s0 =	sld [smem:$0x3F9D];
	_ =	swait.ge [sflag:s4], $0x0  }
0x19: {  	s7 =	sld [smem:$0x3F9E]  }
0x1a: {  	s8 =	sadd.s32 $0xFFFFE003, lr  }
0x1b: {  	s9 =	sadd.s32 $0xFFFFFEF7, lr;
	s5 =	simm.s32 $0xFFFFFFFF;
	p2 =	slt.u32 s8, $0xFFFFF086  }
0x1c: {  	p1 =	slt.u32 s9, $0xF7A;
	s5 =	simm.s32 @!p2 $0x0  }
0x1d: {  	s5 =	simm.s32 @p1 $0x1;
	p0 =	seq.s32 s7, s2  }
0x1e: {  	s7 =	smul.u32 @!p0 $0xF7A, s2;
	p2 =	seq.s32 @!p0 s5, $0x0  }
0x1f: {  	s9 =	smul.u32 $0xF7A, s1;
	s8 =	simm.s32 @!p0 $0x1BF5;
	p2 =	por !p2, p0  }
0x20: {  	[sflag:s8] =	ssyncset.s32 @!p0 $0xFFFFF086;
	s6 =	sadd.s32 @!p0 s3, s7;
	s7 =	simm.s32 @!p0 $0x108  }
0x21: {  	s3 =	sadd.s32 s3, s9;
	s6 =	sadd.s32 @!p0 $0x88, s6;
	s7 =	simm.s32 @p2 $0x1082  }
0x22: {  	[simem:s7], [sflag:s8] =	dma.local @!p0 [hbm:s6], $0xF7A  }
0x23: {  	s9 =	sor.u32 $0xD0000000, s2;
	s6 =	simm.s32 $0x108;
	_ =	swait.ge @!p0 [sflag:s8], $0x0  }
0x24: {  	s3 =	sadd.s32 $0x88, s3;
	s6 =	simm.s32 @!p1 $0x1082;
	[sflag:s4] =	ssyncset.s32 $0xFFFFF086  }
0x25: {  	[simem:s6], [sflag:s4] =	dma.local [hbm:s3], $0xF7A  }
0x26: {  	[smem:$0x3F9E] =	sst s1;
	(tag) =	ssettag s2;
	_ =	strace s9  }
0x27: {  	s1 =	sld [smem:$0x3FAE]  }
0x28: {  	s2 =	sld [smem:$0x3FAF]  }
0x29: {  	s4 =	sld [smem:$0x3FB1]  }
0x2a: {  	p0 =	seq.s32 s5, $0x0;
	s5 =	sld [smem:$0x3FB2]  }
0x2b: {  	s6 =	sld [smem:$0x3FB3]  }
0x2c: {  	s7 =	sld [smem:$0x3FB4]  }
0x2d: {  	s3 =	simm.s32 $0x108;
	s8 =	sld [smem:$0x3FB5]  }
0x2e: {  	s3 =	simm.s32 @!p0 $0x1082;
	s9 =	sld [smem:$0x3FB6]  }
0x2f: {  	lr =	sadd.s32 s0, s3;
	s0 =	sld [smem:$0x3FAD]  }
0x30: {  	s3 =	sld [smem:$0x3FB0]  }
0x31: {  	[smem:$0x3FB9] =	sst s10  }
0x32: {  	s10 =	sld [smem:$0x3FB7];
	_ =	sdelay $0x3  }
0x33: {  	p0 =	seq.s32 s10, $0x1;
	s10 =	sld [smem:$0x3FB9];
	_ =	sdelay $0x3  }
0x34: {  	[smem:$0x3FB9] =	sst s10  }
0x35: {  	s10 =	sld [smem:$0x3FB8];
	_ =	sdelay $0x3  }
0x36: {  	p1 =	seq.s32 s10, $0x1;
	s10 =	sld [smem:$0x3FB9];
	_ =	sdelay $0x3  }
0x37: {  	[smem:$0x3FB9] =	sst s10  }
0x38: {  	s10 =	sld [smem:$0x3FBA]  }
0x39: {  	_ = 	snop;
	(pc) =	sbr.ind lr, $3  }
0x3a: {  	_ = 	snop  }
0x3b: {  	_ = 	snop  }
0x3c: {  	p2 =	seq.s32 s10, $0x1;
	s10 =	sld [smem:$0x3FB9]  }
0x3d: {  	_ =	shalt  }
0x3e: {  	_ =	shalt  }
0x3f: {  	_ =	shalt  }
0x40: {  	_ =	shalt  }
0x41: {  	_ =	shalt  }
0x42: {  	_ =	shalt  }
0x43: {  	_ =	shalt  }
0x44: {  	_ =	shalt  }
0x45: {  	_ =	shalt  }
0x46: {  	_ =	shalt  }
0x47: {  	_ =	shalt  }
0x48: {  	_ =	shalt  }
0x49: {  	_ =	shalt  }
0x4a: {  	_ =	shalt  }
0x4b: {  	_ =	shalt  }
0x4c: {  	_ =	shalt  }
0x4d: {  	_ =	shalt  }
0x4e: {  	_ =	shalt  }
0x4f: {  	_ =	shalt  }
0x50: {  	_ =	shalt  }
0x51: {  	_ =	shalt  }
0x52: {  	_ =	shalt  }
0x53: {  	_ =	shalt  }
0x54: {  	_ =	shalt  }
0x55: {  	_ =	shalt  }
0x56: {  	_ =	shalt  }
0x57: {  	_ =	shalt  }
0x58: {  	_ =	shalt  }
0x59: {  	_ =	shalt  }
0x5a: {  	_ =	shalt  }
0x5b: {  	_ =	shalt  }
0x5c: {  	_ =	shalt  }
0x5d: {  	_ =	shalt  }
0x5e: {  	_ =	shalt  }
0x5f: {  	_ =	shalt  }
0x60: {  	_ =	shalt  }
0x61: {  	_ =	shalt  }
0x62: {  	_ =	shalt  }
0x63: {  	_ =	shalt  }
0x64: {  	_ =	shalt  }
0x65: {  	_ =	shalt  }
0x66: {  	_ =	shalt  }
0x67: {  	_ =	shalt  }
0x68: {  	_ =	shalt  }
0x69: {  	_ =	shalt  }
0x6a: {  	_ =	shalt  }
0x6b: {  	_ =	shalt  }
0x6c: {  	_ =	shalt  }
0x6d: {  	_ =	shalt  }
0x6e: {  	_ =	shalt  }
0x6f: {  	_ =	shalt  }
0x70: {  	_ =	shalt  }
0x71: {  	_ =	shalt  }
0x72: {  	_ =	shalt  }
0x73: {  	_ =	shalt  }
0x74: {  	_ =	shalt  }
0x75: {  	_ =	shalt  }
0x76: {  	_ =	shalt  }
0x77: {  	_ =	shalt  }
0x78: {  	_ =	shalt  }
0x79: {  	_ =	shalt  }
0x7a: {  	_ =	shalt  }
0x7b: {  	_ =	shalt  }
0x7c: {  	_ =	shalt  }
0x7d: {  	_ =	shalt  }
0x7e: {  	_ =	shalt  }
0x7f: {  	_ =	shalt  }
0x80: {  	_ =	shalt  }
0x81: {  	_ =	shalt  }
0x82: {  	_ =	shalt  }
0x83: {  	_ =	shalt  }
0x84: {  	_ =	shalt  }
0x85: {  	_ =	shalt  }
0x86: {  	_ =	shalt  }
0x87: {  	_ =	shalt  }
.Lfunc_end0:
.L_simem_size_0:
called_computation_lowered:
.L_overlay_start_0:
0x88: {  	s2 =	sld [smem:$0x3FD9]  }
0x89: {  	s3 =	sld [smem:$0x3FFE];
	_ =	sdelay $0x1  }
0x8a: {  	s1 =	srdreg.scid  }
0x8b: {  	s0 =	sand.u32 $0x1, s1  }
0x8c: {  	s18 =	sshll.u32 s0, $0xA;
	s2 =	sadd.s32 s3, s2  }
0x8d: {  	s2 =	sadd.s32 s2, s18  }
0x8e: {  	[smem:$0x3FC5] =	sst s2  }
0x8f: {  	_ = 	snop  }
0x90: {  	s2 =	sld [smem:$0x3FC9]  }
0x91: {  	s19 =	sld [smem:$0x3FC8]  }
0x92: {  	s4 =	sld [smem:$0x3FC7]  }
0x93: {  	s5 =	sld [smem:$0x3FD0];
	(tm) =	ssettm $0x1  }
0x94: {  	s6 =	sld [smem:$0x3FFB];
	_ =	sdelay $0x3  }
0x95: {  	_ =	strace s6  }
0x96: {  	s6 =	sld [smem:$0x3FFC];
	_ =	sdelay $0x3  }
0x97: {  	_ =	strace s6  }
0x98: {  	s6 =	sld [smem:$0x3FFD];
	_ =	sdelay $0x3  }
0x99: {  	_ =	strace s6  }
0x9a: {  	_ =	strace $0x8FFFFFFF  }
0x9b: {  	s20 =	sld [smem:$0x3FDB];
	_ =	sdelay $0x1  }
0x9c: {  	s7 =	simm.s32 $_scs_section_size  }
0x9d: {  	s8 =	simm.s32 $_size__tile_overlayer_lowered;
	s9 =	simm.s32 $_tile_overlayer_lowered  }
0x9e: {  	s23 =	simm.s32 $0x1BFF;
	s22 =	sshll.u32 s9, $0x1;
	s6 =	sadd.s32 s7, s20  }
0x9f: {  	s10 =	simm.s32 $0x0;
	s21 =	sshll.u32 s8, $0x1;
	s8 =	sadd.s32 s22, s6  }
0xa0: {  	[timem:s10], [sflag:s23] =	dma.local [hbm:s8], s21  }
0xa1: {  	_ =	swait.ge [sflag:s23], s21  }
0xa2: {  	s7 =	ssub.s32 $0x0, s21;
	[sflag:s23] =	ssyncset.done $0x0  }
0xa3: {  	[sflag:s23] =	ssyncadd.s32 s7;
	_ =	sdelay $0x1  }
0xa4: {  	s24 =	simm.s32 $0x1B8B  }
0xa5: {  	_ =	swait.ge [sflag:s24], $0x1  }
0xa6: {  	[sflag:s24] =	ssyncset.done $0x0  }
0xa7: {  	s25 =	simm.s32 $0x1B8E;
	[sflag:s24] =	ssyncadd.s32 $0xFFFFFFFF  }
0xa8: {  	s26 =	simm.s32 $execute0_lowered;
	[smem:$0x3FD2] =	sst s25  }
0xa9: {  	s7 =	sshll.u32 s26, $0x1;
	_ =	strace $0x80000046;
	[dreg:$0x1] =	wrdreg $0xFFFFFFFF  }
0xaa: {  	s28 =	simm.s32 $_size_execute0_lowered;
	s6 =	sadd.s32 s6, s7;
	[dreg:$0x0] =	wrdreg $0x0  }
0xab: {  	s7 =	sshll.u32 s28, $0x1;
	[dreg:$0x2] =	wrdreg s6  }
0xac: {  	[dreg:$0x3] =	wrdreg s7  }
0xad: {  	[dreg:$0x4] =	wrdreg $0xC0  }
0xae: {  	_ =	task [dreg:s10], $0x5FFFF  }
0xaf: {  	[dreg:$0x1] =	wrdreg $0xFFFFFFFF  }
0xb0: {  	[dreg:$0x0] =	wrdreg $0x60  }
0xb1: {  	[dreg:$0x2] =	wrdreg s19  }
0xb2: {  	[dreg:$0x3] =	wrdreg s2  }
0xb3: {  	[dreg:$0x4] =	wrdreg s4  }
0xb4: {  	[dreg:$0x5] =	wrdreg s5  }
0xb5: {  	[dreg:$0x6] =	wrdreg $0x9  }
0xb6: {  	_ =	task.clear_ibuf [dreg:s10], $0x7FFFF;
	_ =	strace $0x90000046  }
0xb7: {  	s29 =	simm.s32 $0x9;
	_ =	strace $0x80000051  }
0xb8: {  	_ =	swait.ge [sflag:s29], $0x1  }
0xb9: {  	[sflag:s29] =	ssyncadd.s32 $0xFFFFFFFF  }
0xba: {  	_ =	strace $0x90000051  }
0xbb: {  	_ =	sfence  }
0xbc: {  	s30 =	sld [smem:$0x0];
	_ =	sdelay $0x2  }
0xbd: {  	s31 =	sshll.u32 s1, $0xD;
	s1 =	sshrl.u32 s1, $0x2  }
0xbe: {  	s3 =	sand.u32 $0x4000, s31;
	s1 =	sadd.s32 s1, s30  }
0xbf: {  	s0 =	sor.u32 s3, s0;
	s1 =	sshll.u32 s1, $0x11  }
0xc0: {  	s0 =	sor.u32 s1, s0  }
0xc1: {  	s0 =	sadd.s32 $0x8F2B, s0  }
0xc2: {  	[sflag:s0] =	ssyncadd.remote.s32 $0x1  }
0xc3: {  	_ =	sfence.sel $0xFFFF  }
0xc4: {  	[dreg:$0x0] =	wrdreg $0xFFFFFFFF;
	(pc) =	sbr.abs _section_cstart, $3  }
0xc5: {  	[dreg:$0x1] =	wrdreg $0xFFFFFFFF  }
0xc6: {  	_ =	task.clear_ibuf [dreg:s10], $0x2FFFF;
	_ =	strace $0x9FFFFFFF  }
0xc7: {  	(tm) =	ssettm $0x7FFFFFFF  }
tec
execute0_lowered:
.L_overlay_start_1:
0x0: {  	(tag) =	ssettag $0x1  }
0x1: {  	s1 =	rddreg [dreg:$0x0]  }
0x2: {  	s2 =	rddreg [dreg:$0x1];
	s0 =	srdreg.scid  }
0x3: {  	s8 =	stileid.u32;
	s5 =	rddreg [dreg:$0x3]  }
0x4: {  	s6 =	simm.s32 $0x0;
	s11 =	simm.s32 $0x80;
	s0 =	sand.u32 $0x1, s0  }
0x5: {  	s12 =	simm.s32 $0x400;
	s4 =	sshll.u32 s8, $0x1;
	s3 =	sshll.u32 s0, $0x5  }
0x6: {  	s15 =	simm.s32 $0x1;
	s16 =	simm.s32 $0x0;
	s7 =	sor.u32 s4, s3  }
0x7: {  	s30 =	sshll.u32 s8, $0x5;
	s0 =	ssub.s32 $0x2, s0;
	s3 =	sshll.u32 s7, $0x9  }
0x8: {  	[smem:$0x7FF] =	sst s6;
	s31 =	sshrl.u32 s0, $0x1;
	s3 =	sor.u32 s30, s3  }
0x9: {  	_ =	strace $0x80000047;
	s0 =	ssub.s32 s0, s31;
	s3 =	sand.u32 $0x7060, s3  }
0xa: {  	s10 =	smax.u32 s0, $0x1;
	s8 =	sadd.s32 s1, s3;
	s9 =	sadd.s32 s2, s3  }
.LBB2_1:
0xb: {  	s0 =	rddreg [dreg:$0x2]  }
0xc: {  	[tilespmem:s6], [sflag:$0x1] =	stream.linear.gather [hbm4b:s0+s6], $0x18700, $0x38;
	[tilespmem:$0x1E700] =	vst v63  }
0xd: {  	_ =	swait.ge [sflag:s15], $0x18700  }
0xe: {  	s30 =	simm.s32 $0x18700;
	s31 =	simm.s32 $0x1A700;
	[sflag:s15] =	ssyncset.done $0x0  }
0xf: {  	s18 =	simm.s32 $0x0;
	s25 =	simm.s32 $0x0;
	[sflag:s15] =	ssyncadd.s32 $0xFFFE7900  }
0x10: {  	s17 =	simm.s32 $0x0;
	s19 =	simm.s32 $0x0;
	_ =	strace $0x80000048  }
0x11: {  	[tilespmem:s30], [sflag:$0x1] =	stream.strided.gather [hbm4b:s8+s11], $0x1000, s12, s11, $0x200038;
	[tilespmem:$0x1E700] =	vst v63  }
0x12: {  	s20 =	simm.s32 $0x0;
	s21 =	simm.s32 $0x1;
	s22 =	simm.s32 $0x0  }
0x13: {  	[tilespmem:s31], [sflag:$0x3] =	stream.strided.gather [hbm4b:s9+s11], $0x1000, s12, s11, $0x200038;
	[tilespmem:$0x1E700] =	vst v63  }
0x14: {  	s26 =	simm.s32 $0x1;
	s23 =	simm.s32 $0x0;
	_ =	strace $0x90000048  }
.LBB2_2:
0x15: {  	s0 =	smov.u32 s18;
	s18 =	sadd.s32 $0x1, s18  }
0x16: {  	s3 =	simm.s32 $0x1;
	p0 =	seq.s32 s18, $0x2  }
0x17: {  	s3 =	simm.s32 @!p0 $0x0  }
0x18: {  	s24 =	sadd.s32 s3, s25  }
0x19: {  	p1 =	seq.s32 s24, $0x64  }
0x1a: {  	s18 =	simm.s32 @p0 $0x0;
	s24 =	simm.s32 @p1 $0x0  }
0x1b: {  	p6 =	sne.s32 s0, s18;
	p5 =	sne.s32 s25, s24  }
0x1c: {  	p1 =	seq.s32 s23, $0xC7;
	p0 =	por p6, p5  }
0x1d: {  	p2 =	por !p0, p1  }
0x1e: {  	s4 =	sadd.s32 @!p2 s7, s18  }
0x1f: {  	s3 =	smov.u32 s26;
	s13 =	sshll.u32 @!p2 s4, $0xC  }
0x20: {  	s26 =	sshll.u32 @!p2 s24, $0x12;
	s4 =	sshll.u32 @!p2 s4, $0x7;
	s13 =	sand.u32 @!p2 $0xFFFF8000, s13  }
0x21: {  	_ =	strace @!p2 $0x80000049;
	s4 =	sand.u32 @!p2 $0x380, s4;
	s13 =	sadd.s32 @!p2 s13, s26  }
0x22: {  	s29 =	simm.s32 @!p2 $0x80;
	s26 =	sand.u32 @!p2 $0x1, s3;
	s4 =	sor.u32 @!p2 s4, s13  }
0x23: {  	s30 =	simm.s32 @!p2 $0x400;
	s13 =	sshll.u32 @!p2 s26, $0xC;
	s4 =	sshrl.u32 @!p2 s4, $0x3  }
0x24: {  	s26 =	sadd.s32 @!p2 $0x1, s26;
	s13 =	sor.u32 @!p2 $0x18700, s13;
	s28 =	sadd.s32 @!p2 s1, s4  }
0x25: {  	[tilespmem:s13], [sflag:s26] =	stream.strided.gather @!p2 [hbm4b:s28+s29], $0x1000, s30, s29, $0x200038;
	[tilespmem:$0x1E700] =	vst v63  }
0x26: {  	s13 =	sand.u32 @!p2 $0x1, s21  }
0x27: {  	s4 =	sadd.s32 @!p2 s2, s4;
	_ =	strace @!p2 $0x90000049;
	s26 =	sshll.u32 @!p2 s13, $0xC  }
0x28: {  	s13 =	sadd.s32 @!p2 $0x3, s13;
	_ =	strace @!p2 $0x8000004A;
	s26 =	sor.u32 @!p2 $0x1A700, s26  }
0x29: {  	[tilespmem:s26], [sflag:s13] =	stream.strided.gather @!p2 [hbm4b:s4+s29], $0x1000, s30, s29, $0x200038;
	[tilespmem:$0x1E700] =	vst v63  }
0x2a: {  	s4 =	sand.u32 $0x1, s22;
	_ =	strace @!p2 $0x9000004A  }
0x2b: {  	s26 =	sadd.s32 $0x1, s4;
	_ =	strace $0x8000004B  }
0x2c: {  	_ =	swait.ge [sflag:s26], $0x1000  }
0x2d: {  	[sflag:s26] =	ssyncset.done $0x0  }
0x2e: {  	[sflag:s26] =	ssyncadd.s32 $0xFFFFF000  }
0x2f: {  	s13 =	sand.u32 $0x1, s20;
	_ =	strace $0x9000004B  }
0x30: {  	s14 =	sadd.s32 $0x3, s13;
	_ =	strace $0x8000004C  }
0x31: {  	_ =	swait.ge [sflag:s14], $0x1000  }
0x32: {  	[sflag:s14] =	ssyncset.done $0x0  }
0x33: {  	[sflag:s14] =	ssyncadd.s32 $0xFFFFF000  }
0x34: {  	s4 =	sshll.u32 s4, $0xC;
	_ =	strace $0x9000004C  }
0x35: {  	s14 =	sor.u32 $0x18740, s4;
	_ =	strace $0x8000004D  }
0x36: {  	v0 =	vld [tilespmem:s14+$0x30]  }
0x37: {  	v1 =	vld [tilespmem:s14+$0xFFFFFFD0]  }
0x38: {  	v2 =	vld [tilespmem:s14+$0xFFFFFFE0]  }
0x39: {  	v3 =	vld [tilespmem:s14+$0xFFFFFFF0]  }
0x3a: {  	v5 =	vld [tilespmem:s14+$0x0]  }
0x3b: {  	v6 =	vld [tilespmem:s14+$0x10]  }
0x3c: {  	s26 =	sshll.u32 s13, $0xC;
	v7 =	vld [tilespmem:s14+$0x20]  }
0x3d: {  	s31 =	sor.u32 $0x1A740, s26;
	v8 =	vld [tilespmem:s14+$0xFFFFFFC0]  }
0x3e: {  	v10 =	vld [tilespmem:s31+$0x30]  }
0x3f: {  	v13 =	vld [tilespmem:s31+$0xFFFFFFC0]  }
0x40: {  	v14 =	vld [tilespmem:s31+$0xFFFFFFD0]  }
0x41: {  	v9 =	vld.idx.msk [tilespmem:v0+s6+$0x0], $0xffff  }
0x42: {  	v12 =	vld.idx.msk [tilespmem:v1+s6+$0x0], $0xffff  }
0x43: {  	v4 =	vld.idx.msk [tilespmem:v2+s6+$0x0], $0xffff  }
0x44: {  	v3 =	vld.idx.msk [tilespmem:v3+s6+$0x0], $0xffff  }
0x45: {  	v2 =	vld.idx.msk [tilespmem:v5+s6+$0x0], $0xffff  }
0x46: {  	v0 =	vld.idx.msk [tilespmem:v6+s6+$0x0], $0xffff  }
0x47: {  	v11 =	vld.idx.msk [tilespmem:v8+s6+$0x0], $0xffff  }
0x48: {  	v1 =	vld.idx.msk [tilespmem:v7+s6+$0x0], $0xffff  }
0x49: {  	s28 =	simm.s32 @!p2 $0x1;
	v6 =	vld [tilespmem:s31+$0xFFFFFFE0]  }
0x4a: {  	s28 =	simm.s32 @p2 $0x0;
	s29 =	sand.u32 $0x1, s19;
	s26 =	sadd.s32 @!p2 $0x1, s3;
	v5 =	vld [tilespmem:s31+$0xFFFFFFF0]  }
0x4b: {  	s28 =	simm.s32 @p1 $0x0;
	s13 =	sshll.u32 s29, $0xC;
	s26 =	smov.u32 @p2 s3;
	v7 =	vld [tilespmem:s31+$0x0];
	v9 =	vmul.f32 v10, v9  }
0x4c: {  	s30 =	sadd.s32 s7, s0;
	s0 =	sor.u32 $0x1C740, s13;
	s26 =	smov.u32 @p1 s3;
	v8 =	vld [tilespmem:s31+$0x10];
	v11 =	vmul.f32 v13, v11  }
0x4d: {  	s3 =	sor.u32 $0x1C700, s13;
	s4 =	simm.s32 $0x0;
	s13 =	sadd.s32 $0x80, s14;
	v10 =	vmul.f32 v14, v12;
	[tilespmem:s0+$0x30] =	vst v9;
	v9 =	vld [tilespmem:s31+$0x20]  }
.LBB2_3:
0x4e: {  	v12 =	vld [tilespmem:s13+$0x30];
	s4 =	sadd.s32 $0x80, s4;
	[tilespmem:s0+$0xFFFFFFC0] =	vst v11;
	v4 =	vmul.f32 v6, v4  }
0x4f: {  	v6 =	vld [tilespmem:s13+$0xFFFFFFD0];
	p2 =	slt.u32 s4, $0xF80;
	[tilespmem:s0+$0xFFFFFFD0] =	vst v10;
	v3 =	vmul.f32 v5, v3  }
0x50: {  	v5 =	vld [tilespmem:s13+$0xFFFFFFE0];
	[tilespmem:s0+$0xFFFFFFE0] =	vst v4;
	v2 =	vmul.f32 v7, v2  }
0x51: {  	v7 =	vld [tilespmem:s13+$0xFFFFFFF0];
	[tilespmem:s0+$0xFFFFFFF0] =	vst v3;
	v0 =	vmul.f32 v8, v0  }
0x52: {  	v8 =	vld [tilespmem:s13+$0x0];
	[tilespmem:s0+$0x0] =	vst v2;
	v1 =	vmul.f32 v9, v1  }
0x53: {  	v9 =	vld [tilespmem:s13+$0x10];
	[tilespmem:s0+$0x10] =	vst v0  }
0x54: {  	v10 =	vld [tilespmem:s13+$0x20];
	[tilespmem:s0+$0x20] =	vst v1  }
0x55: {  	v1 =	vld [tilespmem:s13+$0xFFFFFFC0]  }
0x56: {  	s31 =	sadd.s32 $0x80, s31;
	v11 =	vld.idx.msk [tilespmem:v12+s6+$0x0], $0xffff  }
0x57: {  	v12 =	vld [tilespmem:s31+$0x30]  }
0x58: {  	v13 =	vld.idx.msk [tilespmem:v6+s6+$0x0], $0xffff  }
0x59: {  	v4 =	vld.idx.msk [tilespmem:v5+s6+$0x0], $0xffff  }
0x5a: {  	v3 =	vld.idx.msk [tilespmem:v7+s6+$0x0], $0xffff  }
0x5b: {  	v2 =	vld.idx.msk [tilespmem:v8+s6+$0x0], $0xffff  }
0x5c: {  	v0 =	vld.idx.msk [tilespmem:v9+s6+$0x0], $0xffff;
	v5 =	vmul.f32 v12, v11  }
0x5d: {  	s0 =	sadd.s32 $0x80, s0;
	v8 =	vld.idx.msk [tilespmem:v1+s6+$0x0], $0xffff  }
0x5e: {  	v1 =	vld.idx.msk [tilespmem:v10+s6+$0x0], $0xffff;
	[tilespmem:s0+$0x30] =	vst v5  }
0x5f: {  	v9 =	vld [tilespmem:s31+$0xFFFFFFC0]  }
0x60: {  	v10 =	vld [tilespmem:s31+$0xFFFFFFD0]  }
.Ltmp0:
0x61: {  	v6 =	vld [tilespmem:s31+$0xFFFFFFE0];
	(pc) =	sbr.rel @p2 .LBB2_3-.Ltmp0, $4  }
0x62: {  	v5 =	vld [tilespmem:s31+$0xFFFFFFF0]  }
0x63: {  	v7 =	vld [tilespmem:s31+$0x0]  }
0x64: {  	v11 =	vmul.f32 v9, v8;
	v8 =	vld [tilespmem:s31+$0x10]  }
0x65: {  	s13 =	sadd.s32 $0x80, s13;
	v10 =	vmul.f32 v10, v13;
	v9 =	vld [tilespmem:s31+$0x20]  }
0x66: {  	[tilespmem:s0+$0xFFFFFFC0] =	vst v11;
	v4 =	vmul.f32 v6, v4  }
0x67: {  	[tilespmem:s0+$0xFFFFFFD0] =	vst v10;
	v3 =	vmul.f32 v5, v3  }
0x68: {  	[tilespmem:s0+$0xFFFFFFE0] =	vst v4;
	v2 =	vmul.f32 v7, v2  }
0x69: {  	p0 =	por p1, p0;
	[tilespmem:s0+$0xFFFFFFF0] =	vst v3;
	v0 =	vmul.f32 v8, v0  }
0x6a: {  	s4 =	sshll.u32 @p0 s30, $0xC;
	[tilespmem:s0+$0x0] =	vst v2;
	v1 =	vmul.f32 v9, v1  }
0x6b: {  	s13 =	sshll.u32 @p0 s25, $0x12;
	s14 =	sshll.u32 @p0 s30, $0x7;
	s4 =	sand.u32 @p0 $0xFFFF8000, s4;
	[tilespmem:s0+$0x10] =	vst v0  }
0x6c: {  	[tilespmem:s0+$0x20] =	vst v1;
	s0 =	sadd.s32 @p0 s13, s4;
	s4 =	sand.u32 @p0 $0x380, s14  }
0x6d: {  	p1 =	seq.s32 s23, $0x0;
	s13 =	simm.s32 @p0 $0x80;
	s0 =	sor.u32 @p0 s4, s0  }
0x6e: {  	s14 =	simm.s32 @p0 $0x400;
	_ =	strace $0x9000004D;
	s0 =	sshrl.u32 @p0 s0, $0x3  }
0x6f: {  	s4 =	sadd.s32 @p0 $0x5, s29;
	_ =	strace @p0 $0x8000004E;
	s0 =	sadd.s32 @p0 s5, s0  }
0x70: {  	[hbm4b:s0+s13] =	stream.strided.scatter @p0 [tilespmem:s3], [sflag:s4], $0x1000, s14, s13, $0x200038;
	[tilespmem:$0x1E700] =	vst v63  }
0x71: {  	s0 =	sand.u32 @!p1 $0x1, s17;
	_ =	strace @p0 $0x9000004E  }
0x72: {  	s0 =	sadd.s32 @!p1 $0x5, s0;
	_ =	strace @!p1 $0x8000004F  }
0x73: {  	s3 =	simm.s32 $0x1;
	_ =	swait.ge @!p1 [sflag:s0], $0x1000  }
0x74: {  	s3 =	simm.s32 @!p0 $0x0;
	p0 =	sne.s32 s23, $0x0;
	[sflag:s0] =	ssyncset.done @!p1 $0x0  }
0x75: {  	s23 =	sadd.s32 $0x1, s23;
	[sflag:s0] =	ssyncadd.s32 @!p1 $0xFFFFF000;
	s0 =	simm.s32 $0x1  }
0x76: {  	s0 =	simm.s32 @!p0 $0x0;
	p0 =	sne.s32 s23, $0xC8  }
.Ltmp1:
0x77: {  	_ = 	snop;
	(pc) =	sbr.rel @p0 .LBB2_2-.Ltmp1, $4  }
0x78: {  	_ = 	snop  }
0x79: {  	s21 =	sadd.s32 s21, s28  }
0x7a: {  	s25 =	smov.u32 s24;
	s19 =	sadd.s32 s3, s19;
	s22 =	sadd.s32 s3, s22  }
0x7b: {  	s20 =	sadd.s32 s3, s20;
	_ =	strace @!p1 $0x9000004F;
	s17 =	sadd.s32 s0, s17  }
0x7c: {  	s16 =	sadd.s32 $0x1, s16  }
0x7d: {  	s0 =	sand.u32 $0x1, s17;
	p0 =	sne.s32 s16, s10  }
.Ltmp2:
0x7e: {  	_ =	strace $0x80000050;
	s0 =	sadd.s32 $0x5, s0;
	(pc) =	sbr.rel @p0 .LBB2_1-.Ltmp2, $4  }
0x7f: {  	_ =	swait.ge [sflag:s0], $0x1000  }
0x80: {  	[sflag:s0] =	ssyncset.done $0x0  }
0x81: {  	[sflag:s0] =	ssyncadd.s32 $0xFFFFF000  }
0x82: {  	_ =	strace $0x90000050  }
0x83: {  	_ =	sfence.sel $0x180000  }
0x84: {  	[bflag:$0x0] =	sbarrier.arrive $0xFFFF  }
0x85: {  	_ =	strace $0x90000047  }
0x86: {  	s0 =	stileid.u32;
	[bflag:$0x2] =	sbarrier.arrive $0xFFFF  }
0x87: {  	p0 =	sne.s32 s0, $0x0;
	s0 =	rddreg [dreg:$0x4]  }
0x88: {  	s0 =	sadd.s32 @!p0 $0x100000, s0  }
0x89: {  	[sflag:s0] =	ssyncadd.tile.s32 @!p0 $0x1;
	_ =	shalt  }
.Lfunc_end2:
_tile_overlayer_lowered:
.L_overlay_start_2:
0x8a: {  	(tag) =	ssettag $0x2  }
0x8b: {  	s0 =	rddreg [dreg:$0x0];
	s2 =	stileid.u32  }
0x8c: {  	s1 =	rddreg [dreg:$0x1];
	p0 =	sne.s32 s2, $0x0  }
0x8d: {  	s3 =	rddreg [dreg:$0x2];
	[bflag:$0x3] =	sbarrier.arrive $0xFFFF;
	s2 =	simm.s32 @!p0 $0x1C01  }
0x8e: {  	[timem:s3], [sflag:s2] =	dma.local @!p0 [hbm:s0], s1  }
0x8f: {  	s0 =	simm.s32 @!p0 $0x1  }
0x90: {  	_ =	swait.ge @!p0 [sflag:s0], s1  }
0x91: {  	s1 =	ssub.s32 @!p0 $0x0, s1;
	[sflag:s0] =	ssyncset.done @!p0 $0x0  }
0x92: {  	[sflag:s0] =	ssyncadd.s32 @!p0 s1  }
0x93: {  	[bflag:$0x3] =	sbarrier.arrive $0xFFFF  }
0x94: {  	_ =	shalt  }

</sc_bundles>
